<compile_context>
chip_gen: v7x
topology: tpu7x:2x2x1
jax: 0.10.2.dev20260603
libtpu: 0.0.44.dev20260713+nightly
codegen_flags: <defaults>
</compile_context>

<pallas_src>
import jax
import jax.numpy as jnp
from jax import lax
from jax.experimental import pallas as pl
from jax.experimental.pallas import tpu as pltpu
from jax.experimental.pallas import tpu_sc as plsc

N = 10000
E = 320000
D = 128
NP = 10240
NC = 2
NS = 16
NW = NC * NS
CH = 128
CPT = 80
TOT = NW * CPT
E_PAD = TOT * CH
RPS = NP // NS
HALF = RPS // 2

_mesh = plsc.VectorSubcoreMesh(core_axis_name="c", subcore_axis_name="s")


def _deg_body(srcc, dstc, out, src_idx, dst_idx, ones_v, zbuf, deg_s_sh, deg_d_sh):
    cid = lax.axis_index("c")
    sid = lax.axis_index("s")
    wid = sid * NC + cid
    for i in range(RPS // 16):
        zbuf[pl.ds(i * 16, 16)] = jnp.zeros((16,), jnp.float32)
    for i in range(CH // 16):
        ones_v[pl.ds(i * 16, 16)] = jnp.ones((16,), jnp.float32)
    pltpu.sync_copy(zbuf, deg_s_sh.at[pl.ds(sid * RPS, RPS)])
    pltpu.sync_copy(zbuf, deg_d_sh.at[pl.ds(sid * RPS, RPS)])
    plsc.subcore_barrier()
    pltpu.sync_copy(srcc.at[pl.ds(wid * CPT, CPT)], src_idx)
    pltpu.sync_copy(dstc.at[pl.ds(wid * CPT, CPT)], dst_idx)

    def body(j, c):
        pltpu.sync_copy(ones_v, deg_s_sh.at[src_idx.at[j]], add=True)
        pltpu.sync_copy(ones_v, deg_d_sh.at[dst_idx.at[j]], add=True)
        return c

    lax.fori_loop(0, CPT, body, 0)
    plsc.subcore_barrier()
    pltpu.sync_copy(deg_s_sh.at[pl.ds(sid * RPS, RPS)], zbuf)
    pltpu.sync_copy(zbuf, out.at[cid, 0, pl.ds(sid * RPS, RPS)])
    pltpu.sync_copy(deg_d_sh.at[pl.ds(sid * RPS, RPS)], zbuf)
    pltpu.sync_copy(zbuf, out.at[cid, 1, pl.ds(sid * RPS, RPS)])


_deg_call = pl.kernel(
    _deg_body,
    out_type=jax.ShapeDtypeStruct((NC, 2, NP), jnp.float32),
    mesh=_mesh,
    scratch_types=[
        pltpu.VMEM((CPT, CH), jnp.int32),
        pltpu.VMEM((CPT, CH), jnp.int32),
        pltpu.VMEM((CH,), jnp.float32),
        pltpu.VMEM((RPS,), jnp.float32),
        pltpu.VMEM_SHARED((NP,), jnp.float32),
        pltpu.VMEM_SHARED((NP,), jnp.float32),
    ],
)


HCH = CPT // 2


def _agg_body(feat, srcc, dstc, out, src_idx, dst_idx, gbuf0, gbuf1, sem0, sem1,
              ssem0, ssem1, accum_sh):
    cid = lax.axis_index("c")
    sid = lax.axis_index("s")
    wid = sid * NC + cid

    def zrow(i, c):
        for k in range(D // 16):
            gbuf0[i, pl.ds(k * 16, 16)] = jnp.zeros((16,), jnp.float32)
        return c

    lax.fori_loop(0, CH, zrow, 0)
    for z in range(RPS // CH):
        pltpu.sync_copy(gbuf0, accum_sh.at[pl.ds(sid * RPS + z * CH, CH)])
    plsc.subcore_barrier()

    for h in range(2):
        base = wid * CPT + h * HCH
        pltpu.sync_copy(srcc.at[pl.ds(base, HCH)], src_idx)
        pltpu.sync_copy(dstc.at[pl.ds(base, HCH)], dst_idx)
        pltpu.async_copy(feat.at[src_idx.at[0]], gbuf0, sem0)
        pltpu.async_copy(feat.at[src_idx.at[1]], gbuf1, sem1)

        def pair(jj, c):
            j = jj * 2
            pltpu.make_async_copy(feat.at[src_idx.at[j]], gbuf0, sem0).wait()
            pltpu.async_copy(gbuf0, accum_sh.at[dst_idx.at[j]], ssem0, add=True)
            pltpu.make_async_copy(feat.at[src_idx.at[j + 1]], gbuf1, sem1).wait()
            pltpu.async_copy(gbuf1, accum_sh.at[dst_idx.at[j + 1]], ssem1, add=True)
            nxt0 = jnp.minimum(j + 2, HCH - 1)
            nxt1 = jnp.minimum(j + 3, HCH - 1)
            pltpu.make_async_copy(gbuf0, accum_sh.at[dst_idx.at[j]], ssem0).wait()
            pltpu.async_copy(feat.at[src_idx.at[nxt0]], gbuf0, sem0)
            pltpu.make_async_copy(gbuf1, accum_sh.at[dst_idx.at[j + 1]], ssem1).wait()
            pltpu.async_copy(feat.at[src_idx.at[nxt1]], gbuf1, sem1)
            return c

        lax.fori_loop(0, HCH // 2, pair, 0)
        pltpu.make_async_copy(feat.at[src_idx.at[HCH - 1]], gbuf0, sem0).wait()
        pltpu.make_async_copy(feat.at[src_idx.at[HCH - 1]], gbuf1, sem1).wait()

    plsc.subcore_barrier()
    for z in range(RPS // CH):
        pltpu.sync_copy(accum_sh.at[pl.ds(sid * RPS + z * CH, CH)], gbuf0)
        pltpu.sync_copy(gbuf0, out.at[cid, pl.ds(sid * RPS + z * CH, CH)])


_agg_call = pl.kernel(
    _agg_body,
    out_type=jax.ShapeDtypeStruct((NC, NP, D), jnp.float32),
    mesh=_mesh,
    scratch_types=[
        pltpu.VMEM((HCH, CH), jnp.int32),
        pltpu.VMEM((HCH, CH), jnp.int32),
        pltpu.VMEM((CH, D), jnp.float32),
        pltpu.VMEM((CH, D), jnp.float32),
        pltpu.SemaphoreType.DMA,
        pltpu.SemaphoreType.DMA,
        pltpu.SemaphoreType.DMA,
        pltpu.SemaphoreType.DMA,
        pltpu.VMEM_SHARED((NP, D), jnp.float32),
    ],
)


R2 = 1280


def _mm1_body(d_ref, h_ref, w_ref, feat_ref, h2_ref, h3_ref):
    d = d_ref[...]
    dsrc = d[:, 0:1] + d[:, 1:2]
    nsrc = lax.rsqrt(jnp.maximum(dsrc, 1.0))
    hw = jnp.dot(h_ref[...], w_ref[...], preferred_element_type=jnp.float32)
    feat_ref[...] = hw[:, :D] * nsrc
    h2_ref[...] = hw[:, D:2 * D]
    h3_ref[...] = hw[:, 2 * D:]


_mm1_call = pl.pallas_call(
    _mm1_body,
    grid=(NP // R2,),
    in_specs=[
        pl.BlockSpec((R2, 4), lambda i: (i, 0)),
        pl.BlockSpec((R2, D), lambda i: (i, 0)),
        pl.BlockSpec((D, 3 * D), lambda i: (0, 0)),
    ],
    out_specs=[pl.BlockSpec((R2, D), lambda i: (i, 0))] * 3,
    out_shape=[jax.ShapeDtypeStruct((NP, D), jnp.float32)] * 3,
)


def _mm2_body(d_ref, p_ref, h2_ref, h3_ref, w_ref, o_ref):
    d = d_ref[...]
    ddst = d[:, 2:3] + d[:, 3:4]
    ndst = lax.rsqrt(jnp.maximum(ddst, 1.0))
    p = p_ref[...]
    agg = (p[0] + p[1]) * ndst
    hf = jnp.dot(agg, w_ref[...], preferred_element_type=jnp.float32)
    gate = jnp.maximum(hf[:, :D] + h2_ref[...], 0.0)
    o_ref[...] = h3_ref[...] + gate * hf[:, D:]


_mm2_call = pl.pallas_call(
    _mm2_body,
    grid=(NP // R2,),
    in_specs=[
        pl.BlockSpec((R2, 4), lambda i: (i, 0)),
        pl.BlockSpec((NC, R2, D), lambda i: (0, i, 0)),
        pl.BlockSpec((R2, D), lambda i: (i, 0)),
        pl.BlockSpec((R2, D), lambda i: (i, 0)),
        pl.BlockSpec((D, 2 * D), lambda i: (0, 0)),
    ],
    out_specs=pl.BlockSpec((R2, D), lambda i: (i, 0)),
    out_shape=jax.ShapeDtypeStruct((NP, D), jnp.float32),
)


def kernel(hidden, edge_index, W_h, W_hf):
    src = edge_index[0]
    dst = edge_index[1]
    pad = E_PAD - E
    srcc = jnp.concatenate([src, jnp.full((pad,), N, jnp.int32)]).reshape(TOT, CH)
    dstc = jnp.concatenate([dst, jnp.full((pad,), N, jnp.int32)]).reshape(TOT, CH)
    h_pad = jnp.pad(hidden, ((0, NP - N), (0, 0)))

    degs = _deg_call(srcc, dstc)
    degt = jnp.transpose(degs, (2, 1, 0)).reshape(NP, 4)
    feat, h2, h3 = _mm1_call(degt, h_pad, W_h)
    parts = _agg_call(feat, srcc, dstc)
    out = _mm2_call(degt, parts, h2, h3, W_hf)
    res = out[:N]
    return (res, res)

# --- scband reference (transcript-rebuilt; emitter-appended) ---
"""Pipeline reference for scband-sggnn-11501922419474 (READ-ONLY COPY).

The authoritative reference and input builder live on the scoring server;
editing this copy changes nothing except your own understanding.
"""

import jax, jax.numpy as jnp
import numpy as np

N = 10000
E = 320000
D = 128
STEP = 1


def setup_inputs(seed: int = 0) -> dict:
    key = jax.random.key(seed)
    k1, k2, k3, k4 = jax.random.split(key, 4)
    hidden = jax.random.normal(k1, (N, D), dtype=jnp.float32)
    edge_index = jax.random.randint(k2, (2, E), 0, N, dtype=jnp.int32)
    # Learned parameters (torch nn.Linear weight [out,in], stored here as [in,out] for x @ W)
    W_h = jax.random.normal(k3, (D, 3 * D), dtype=jnp.float32) / jnp.sqrt(D)
    W_hf = jax.random.normal(k4, (D, 2 * D), dtype=jnp.float32) / jnp.sqrt(D)
    return {"hidden": hidden, "edge_index": edge_index, "W_h": W_h, "W_hf": W_hf}


def reference(hidden, edge_index, W_h, W_hf):
    src = edge_index[0]
    dst = edge_index[1]
    # DGL GraphConv(norm='both', weight=False, bias=False, allow_zero_in_degree=True)
    deg_out = jnp.bincount(src, length=N).astype(jnp.float32)
    norm_src = 1.0 / jnp.sqrt(jnp.clip(deg_out, 1.0))
    deg_in = jnp.bincount(dst, length=N).astype(jnp.float32)
    norm_dst = 1.0 / jnp.sqrt(jnp.clip(deg_in, 1.0))

    def simple_gnn_layer(h1):
        feat = h1 * norm_src[:, None]
        agg = jax.ops.segment_sum(feat[src], dst, num_segments=N)
        return agg * norm_dst[:, None]

    def gnn_conv(h):
        hw = h @ W_h
        h1, h2, h3 = jnp.split(hw, 3, axis=-1)
        hf = simple_gnn_layer(h1) @ W_hf
        hf1, hf2 = jnp.split(hf, 2, axis=-1)
        gate = jax.nn.relu(hf1 + h2)
        return h3 + gate * hf2

    seqs = []
    h = hidden
    for _ in range(STEP):
        h = gnn_conv(h)
        seqs.append(h)
    return (h, jnp.stack(seqs, axis=1).mean(axis=1))

if __name__ == "__main__":
    import jax
    _d = setup_inputs()
    print(jax.jit(kernel)(*tuple(_d.values())))

</pallas_src>

<mosaic_0001>
#map = affine_map<(d0, d1) -> (0, 0)>
#map1 = affine_map<(d0, d1) -> (0, 0, 0)>
module attributes {stable_mosaic.version = 14 : i64} {
  func.func @_deg_body(%arg0: i32, %arg1: i32, %arg2: memref<2560x128xi32, #tpu.memory_space<hbm>>, %arg3: memref<2560x128xi32, #tpu.memory_space<hbm>>, %arg4: memref<2x2x10240xf32, #tpu.memory_space<hbm>>, %arg5: memref<80x128xi32, #tpu.memory_space<vmem>>, %arg6: memref<80x128xi32, #tpu.memory_space<vmem>>, %arg7: memref<128xf32, #tpu.memory_space<vmem>>, %arg8: memref<640xf32, #tpu.memory_space<vmem>>, %arg9: memref<10240xf32, #tpu.memory_space<vmem_shared>>, %arg10: memref<10240xf32, #tpu.memory_space<vmem_shared>>) attributes {dimension_semantics = [#tpu.dimension_semantics<core_parallel>, #tpu.dimension_semantics<subcore_parallel>], iteration_bounds = array<i64: 2, 16>, scalar_prefetch = 0 : i64, scratch_operands = 6 : i64, tpu.core_type = #tpu.core_type<sc_vector_subcore>, window_params = [{transform_indices = #map}, {transform_indices = #map}, {transform_indices = #map1}]} {
    %mul3A = arith.constant 2 : i32
    %mul3A_0 = arith.muli %arg1, %mul3A : i32
    %add3A = arith.addi %mul3A_0, %arg0 : i32
    %broadcast_in_dim3A = arith.constant 0.000000e+00 : f32
    %broadcast_in_dim3A_1 = vector.broadcast %broadcast_in_dim3A : f32 to vector<16xf32>
    %swap3A = arith.constant 0 : index
    %swap3A_2 = tpu.vector_load %arg8[%swap3A] {strides = array<i32>} : memref<640xf32, #tpu.memory_space<vmem>>, vector<16xf32>,
    %swap3A_3 = vector.shape_cast %swap3A_2 : vector<16xf32> to vector<16xf32>
    %swap3A_4 = vector.shape_cast %broadcast_in_dim3A_1 : vector<16xf32> to vector<16xf32>
    tpu.vector_store %arg8[%swap3A], %swap3A_4 {strides = array<i32>} : memref<640xf32, #tpu.memory_space<vmem>>, vector<16xf32>,
    %broadcast_in_dim3A_5 = arith.constant 0.000000e+00 : f32
    %broadcast_in_dim3A_6 = vector.broadcast %broadcast_in_dim3A_5 : f32 to vector<16xf32>
    %swap3A_7 = arith.constant 16 : index
    %swap3A_8 = tpu.vector_load %arg8[%swap3A_7] {strides = array<i32>} : memref<640xf32, #tpu.memory_space<vmem>>, vector<16xf32>,
    %swap3A_9 = vector.shape_cast %swap3A_8 : vector<16xf32> to vector<16xf32>
    %swap3A_10 = vector.shape_cast %broadcast_in_dim3A_6 : vector<16xf32> to vector<16xf32>
    tpu.vector_store %arg8[%swap3A_7], %swap3A_10 {strides = array<i32>} : memref<640xf32, #tpu.memory_space<vmem>>, vector<16xf32>,
    %broadcast_in_dim3A_11 = arith.constant 0.000000e+00 : f32
    %broadcast_in_dim3A_12 = vector.broadcast %broadcast_in_dim3A_11 : f32 to vector<16xf32>
    %swap3A_13 = arith.constant 32 : index
    %swap3A_14 = tpu.vector_load %arg8[%swap3A_13] {strides = array<i32>} : memref<640xf32, #tpu.memory_space<vmem>>, vector<16xf32>,
    %swap3A_15 = vector.shape_cast %swap3A_14 : vector<16xf32> to vector<16xf32>
    %swap3A_16 = vector.shape_cast %broadcast_in_dim3A_12 : vector<16xf32> to vector<16xf32>
    tpu.vector_store %arg8[%swap3A_13], %swap3A_16 {strides = array<i32>} : memref<640xf32, #tpu.memory_space<vmem>>, vector<16xf32>,
    %broadcast_in_dim3A_17 = arith.constant 0.000000e+00 : f32
    %broadcast_in_dim3A_18 = vector.broadcast %broadcast_in_dim3A_17 : f32 to vector<16xf32>
    %swap3A_19 = arith.constant 48 : index
    %swap3A_20 = tpu.vector_load %arg8[%swap3A_19] {strides = array<i32>} : memref<640xf32, #tpu.memory_space<vmem>>, vector<16xf32>,
    %swap3A_21 = vector.shape_cast %swap3A_20 : vector<16xf32> to vector<16xf32>
    %swap3A_22 = vector.shape_cast %broadcast_in_dim3A_18 : vector<16xf32> to vector<16xf32>
    tpu.vector_store %arg8[%swap3A_19], %swap3A_22 {strides = array<i32>} : memref<640xf32, #tpu.memory_space<vmem>>, vector<16xf32>,
    %broadcast_in_dim3A_23 = arith.constant 0.000000e+00 : f32
    %broadcast_in_dim3A_24 = vector.broadcast %broadcast_in_dim3A_23 : f32 to vector<16xf32>
    %swap3A_25 = arith.constant 64 : index
    %swap3A_26 = tpu.vector_load %arg8[%swap3A_25] {strides = array<i32>} : memref<640xf32, #tpu.memory_space<vmem>>, vector<16xf32>,
    %swap3A_27 = vector.shape_cast %swap3A_26 : vector<16xf32> to vector<16xf32>
    %swap3A_28 = vector.shape_cast %broadcast_in_dim3A_24 : vector<16xf32> to vector<16xf32>
    tpu.vector_store %arg8[%swap3A_25], %swap3A_28 {strides = array<i32>} : memref<640xf32, #tpu.memory_space<vmem>>, vector<16xf32>,
    %broadcast_in_dim3A_29 = arith.constant 0.000000e+00 : f32
    %broadcast_in_dim3A_30 = vector.broadcast %broadcast_in_dim3A_29 : f32 to vector<16xf32>
    %swap3A_31 = arith.constant 80 : index
    %swap3A_32 = tpu.vector_load %arg8[%swap3A_31] {strides = array<i32>} : memref<640xf32, #tpu.memory_space<vmem>>, vector<16xf32>,
    %swap3A_33 = vector.shape_cast %swap3A_32 : vector<16xf32> to vector<16xf32>
    %swap3A_34 = vector.shape_cast %broadcast_in_dim3A_30 : vector<16xf32> to vector<16xf32>
    tpu.vector_store %arg8[%swap3A_31], %swap3A_34 {strides = array<i32>} : memref<640xf32, #tpu.memory_space<vmem>>, vector<16xf32>,
    %broadcast_in_dim3A_35 = arith.constant 0.000000e+00 : f32
    %broadcast_in_dim3A_36 = vector.broadcast %broadcast_in_dim3A_35 : f32 to vector<16xf32>
    %swap3A_37 = arith.constant 96 : index
    %swap3A_38 = tpu.vector_load %arg8[%swap3A_37] {strides = array<i32>} : memref<640xf32, #tpu.memory_space<vmem>>, vector<16xf32>,
    %swap3A_39 = vector.shape_cast %swap3A_38 : vector<16xf32> to vector<16xf32>
    %swap3A_40 = vector.shape_cast %broadcast_in_dim3A_36 : vector<16xf32> to vector<16xf32>
    tpu.vector_store %arg8[%swap3A_37], %swap3A_40 {strides = array<i32>} : memref<640xf32, #tpu.memory_space<vmem>>, vector<16xf32>,
    %broadcast_in_dim3A_41 = arith.constant 0.000000e+00 : f32
    %broadcast_in_dim3A_42 = vector.broadcast %broadcast_in_dim3A_41 : f32 to vector<16xf32>
    %swap3A_43 = arith.constant 112 : index
    %swap3A_44 = tpu.vector_load %arg8[%swap3A_43] {strides = array<i32>} : memref<640xf32, #tpu.memory_space<vmem>>, vector<16xf32>,
    %swap3A_45 = vector.shape_cast %swap3A_44 : vector<16xf32> to vector<16xf32>
    %swap3A_46 = vector.shape_cast %broadcast_in_dim3A_42 : vector<16xf32> to vector<16xf32>
    tpu.vector_store %arg8[%swap3A_43], %swap3A_46 {strides = array<i32>} : memref<640xf32, #tpu.memory_space<vmem>>, vector<16xf32>,
    %broadcast_in_dim3A_47 = arith.constant 0.000000e+00 : f32
    %broadcast_in_dim3A_48 = vector.broadcast %broadcast_in_dim3A_47 : f32 to vector<16xf32>
    %swap3A_49 = arith.constant 128 : index
    %swap3A_50 = tpu.vector_load %arg8[%swap3A_49] {strides = array<i32>} : memref<640xf32, #tpu.memory_space<vmem>>, vector<16xf32>,
    %swap3A_51 = vector.shape_cast %swap3A_50 : vector<16xf32> to vector<16xf32>
    %swap3A_52 = vector.shape_cast %broadcast_in_dim3A_48 : vector<16xf32> to vector<16xf32>
    tpu.vector_store %arg8[%swap3A_49], %swap3A_52 {strides = array<i32>} : memref<640xf32, #tpu.memory_space<vmem>>, vector<16xf32>,
    %broadcast_in_dim3A_53 = arith.constant 0.000000e+00 : f32
    %broadcast_in_dim3A_54 = vector.broadcast %broadcast_in_dim3A_53 : f32 to vector<16xf32>
    %swap3A_55 = arith.constant 144 : index
    %swap3A_56 = tpu.vector_load %arg8[%swap3A_55] {strides = array<i32>} : memref<640xf32, #tpu.memory_space<vmem>>, vector<16xf32>,
    %swap3A_57 = vector.shape_cast %swap3A_56 : vector<16xf32> to vector<16xf32>
    %swap3A_58 = vector.shape_cast %broadcast_in_dim3A_54 : vector<16xf32> to vector<16xf32>
    tpu.vector_store %arg8[%swap3A_55], %swap3A_58 {strides = array<i32>} : memref<640xf32, #tpu.memory_space<vmem>>, vector<16xf32>,
    %broadcast_in_dim3A_59 = arith.constant 0.000000e+00 : f32
    %broadcast_in_dim3A_60 = vector.broadcast %broadcast_in_dim3A_59 : f32 to vector<16xf32>
    %swap3A_61 = arith.constant 160 : index
    %swap3A_62 = tpu.vector_load %arg8[%swap3A_61] {strides = array<i32>} : memref<640xf32, #tpu.memory_space<vmem>>, vector<16xf32>,
    %swap3A_63 = vector.shape_cast %swap3A_62 : vector<16xf32> to vector<16xf32>
    %swap3A_64 = vector.shape_cast %broadcast_in_dim3A_60 : vector<16xf32> to vector<16xf32>
    tpu.vector_store %arg8[%swap3A_61], %swap3A_64 {strides = array<i32>} : memref<640xf32, #tpu.memory_space<vmem>>, vector<16xf32>,
    %broadcast_in_dim3A_65 = arith.constant 0.000000e+00 : f32
    %broadcast_in_dim3A_66 = vector.broadcast %broadcast_in_dim3A_65 : f32 to vector<16xf32>
    %swap3A_67 = arith.constant 176 : index
    %swap3A_68 = tpu.vector_load %arg8[%swap3A_67] {strides = array<i32>} : memref<640xf32, #tpu.memory_space<vmem>>, vector<16xf32>,
    %swap3A_69 = vector.shape_cast %swap3A_68 : vector<16xf32> to vector<16xf32>
    %swap3A_70 = vector.shape_cast %broadcast_in_dim3A_66 : vector<16xf32> to vector<16xf32>
    tpu.vector_store %arg8[%swap3A_67], %swap3A_70 {strides = array<i32>} : memref<640xf32, #tpu.memory_space<vmem>>, vector<16xf32>,
    %broadcast_in_dim3A_71 = arith.constant 0.000000e+00 : f32
    %broadcast_in_dim3A_72 = vector.broadcast %broadcast_in_dim3A_71 : f32 to vector<16xf32>
    %swap3A_73 = arith.constant 192 : index
    %swap3A_74 = tpu.vector_load %arg8[%swap3A_73] {strides = array<i32>} : memref<640xf32, #tpu.memory_space<vmem>>, vector<16xf32>,
    %swap3A_75 = vector.shape_cast %swap3A_74 : vector<16xf32> to vector<16xf32>
    %swap3A_76 = vector.shape_cast %broadcast_in_dim3A_72 : vector<16xf32> to vector<16xf32>
    tpu.vector_store %arg8[%swap3A_73], %swap3A_76 {strides = array<i32>} : memref<640xf32, #tpu.memory_space<vmem>>, vector<16xf32>,
    %broadcast_in_dim3A_77 = arith.constant 0.000000e+00 : f32
    %broadcast_in_dim3A_78 = vector.broadcast %broadcast_in_dim3A_77 : f32 to vector<16xf32>
    %swap3A_79 = arith.constant 208 : index
    %swap3A_80 = tpu.vector_load %arg8[%swap3A_79] {strides = array<i32>} : memref<640xf32, #tpu.memory_space<vmem>>, vector<16xf32>,
    %swap3A_81 = vector.shape_cast %swap3A_80 : vector<16xf32> to vector<16xf32>
    %swap3A_82 = vector.shape_cast %broadcast_in_dim3A_78 : vector<16xf32> to vector<16xf32>
    tpu.vector_store %arg8[%swap3A_79], %swap3A_82 {strides = array<i32>} : memref<640xf32, #tpu.memory_space<vmem>>, vector<16xf32>,
    %broadcast_in_dim3A_83 = arith.constant 0.000000e+00 : f32
    %broadcast_in_dim3A_84 = vector.broadcast %broadcast_in_dim3A_83 : f32 to vector<16xf32>
    %swap3A_85 = arith.constant 224 : index
    %swap3A_86 = tpu.vector_load %arg8[%swap3A_85] {strides = array<i32>} : memref<640xf32, #tpu.memory_space<vmem>>, vector<16xf32>,
    %swap3A_87 = vector.shape_cast %swap3A_86 : vector<16xf32> to vector<16xf32>
    %swap3A_88 = vector.shape_cast %broadcast_in_dim3A_84 : vector<16xf32> to vector<16xf32>
    tpu.vector_store %arg8[%swap3A_85], %swap3A_88 {strides = array<i32>} : memref<640xf32, #tpu.memory_space<vmem>>, vector<16xf32>,
    %broadcast_in_dim3A_89 = arith.constant 0.000000e+00 : f32
    %broadcast_in_dim3A_90 = vector.broadcast %broadcast_in_dim3A_89 : f32 to vector<16xf32>
    %swap3A_91 = arith.constant 240 : index
    %swap3A_92 = tpu.vector_load %arg8[%swap3A_91] {strides = array<i32>} : memref<640xf32, #tpu.memory_space<vmem>>, vector<16xf32>,
    %swap3A_93 = vector.shape_cast %swap3A_92 : vector<16xf32> to vector<16xf32>
    %swap3A_94 = vector.shape_cast %broadcast_in_dim3A_90 : vector<16xf32> to vector<16xf32>
    tpu.vector_store %arg8[%swap3A_91], %swap3A_94 {strides = array<i32>} : memref<640xf32, #tpu.memory_space<vmem>>, vector<16xf32>,
    %broadcast_in_dim3A_95 = arith.constant 0.000000e+00 : f32
    %broadcast_in_dim3A_96 = vector.broadcast %broadcast_in_dim3A_95 : f32 to vector<16xf32>
    %swap3A_97 = arith.constant 256 : index
    %swap3A_98 = tpu.vector_load %arg8[%swap3A_97] {strides = array<i32>} : memref<640xf32, #tpu.memory_space<vmem>>, vector<16xf32>,
    %swap3A_99 = vector.shape_cast %swap3A_98 : vector<16xf32> to vector<16xf32>
    %swap3A_100 = vector.shape_cast %broadcast_in_dim3A_96 : vector<16xf32> to vector<16xf32>
    tpu.vector_store %arg8[%swap3A_97], %swap3A_100 {strides = array<i32>} : memref<640xf32, #tpu.memory_space<vmem>>, vector<16xf32>,
    %broadcast_in_dim3A_101 = arith.constant 0.000000e+00 : f32
    %broadcast_in_dim3A_102 = vector.broadcast %broadcast_in_dim3A_101 : f32 to vector<16xf32>
    %swap3A_103 = arith.constant 272 : index
    %swap3A_104 = tpu.vector_load %arg8[%swap3A_103] {strides = array<i32>} : memref<640xf32, #tpu.memory_space<vmem>>, vector<16xf32>,
    %swap3A_105 = vector.shape_cast %swap3A_104 : vector<16xf32> to vector<16xf32>
    %swap3A_106 = vector.shape_cast %broadcast_in_dim3A_102 : vector<16xf32> to vector<16xf32>
    tpu.vector_store %arg8[%swap3A_103], %swap3A_106 {strides = array<i32>} : memref<640xf32, #tpu.memory_space<vmem>>, vector<16xf32>,
    %broadcast_in_dim3A_107 = arith.constant 0.000000e+00 : f32
    %broadcast_in_dim3A_108 = vector.broadcast %broadcast_in_dim3A_107 : f32 to vector<16xf32>
    %swap3A_109 = arith.constant 288 : index
    %swap3A_110 = tpu.vector_load %arg8[%swap3A_109] {strides = array<i32>} : memref<640xf32, #tpu.memory_space<vmem>>, vector<16xf32>,
    %swap3A_111 = vector.shape_cast %swap3A_110 : vector<16xf32> to vector<16xf32>
    %swap3A_112 = vector.shape_cast %broadcast_in_dim3A_108 : vector<16xf32> to vector<16xf32>
    tpu.vector_store %arg8[%swap3A_109], %swap3A_112 {strides = array<i32>} : memref<640xf32, #tpu.memory_space<vmem>>, vector<16xf32>,
    %broadcast_in_dim3A_113 = arith.constant 0.000000e+00 : f32
    %broadcast_in_dim3A_114 = vector.broadcast %broadcast_in_dim3A_113 : f32 to vector<16xf32>
    %swap3A_115 = arith.constant 304 : index
    %swap3A_116 = tpu.vector_load %arg8[%swap3A_115] {strides = array<i32>} : memref<640xf32, #tpu.memory_space<vmem>>, vector<16xf32>,
    %swap3A_117 = vector.shape_cast %swap3A_116 : vector<16xf32> to vector<16xf32>
    %swap3A_118 = vector.shape_cast %broadcast_in_dim3A_114 : vector<16xf32> to vector<16xf32>
    tpu.vector_store %arg8[%swap3A_115], %swap3A_118 {strides = array<i32>} : memref<640xf32, #tpu.memory_space<vmem>>, vector<16xf32>,
    %broadcast_in_dim3A_119 = arith.constant 0.000000e+00 : f32
    %broadcast_in_dim3A_120 = vector.broadcast %broadcast_in_dim3A_119 : f32 to vector<16xf32>
    %swap3A_121 = arith.constant 320 : index
    %swap3A_122 = tpu.vector_load %arg8[%swap3A_121] {strides = array<i32>} : memref<640xf32, #tpu.memory_space<vmem>>, vector<16xf32>,
    %swap3A_123 = vector.shape_cast %swap3A_122 : vector<16xf32> to vector<16xf32>
    %swap3A_124 = vector.shape_cast %broadcast_in_dim3A_120 : vector<16xf32> to vector<16xf32>
    tpu.vector_store %arg8[%swap3A_121], %swap3A_124 {strides = array<i32>} : memref<640xf32, #tpu.memory_space<vmem>>, vector<16xf32>,
    %broadcast_in_dim3A_125 = arith.constant 0.000000e+00 : f32
    %broadcast_in_dim3A_126 = vector.broadcast %broadcast_in_dim3A_125 : f32 to vector<16xf32>
    %swap3A_127 = arith.constant 336 : index
    %swap3A_128 = tpu.vector_load %arg8[%swap3A_127] {strides = array<i32>} : memref<640xf32, #tpu.memory_space<vmem>>, vector<16xf32>,
    %swap3A_129 = vector.shape_cast %swap3A_128 : vector<16xf32> to vector<16xf32>
    %swap3A_130 = vector.shape_cast %broadcast_in_dim3A_126 : vector<16xf32> to vector<16xf32>
    tpu.vector_store %arg8[%swap3A_127], %swap3A_130 {strides = array<i32>} : memref<640xf32, #tpu.memory_space<vmem>>, vector<16xf32>,
    %broadcast_in_dim3A_131 = arith.constant 0.000000e+00 : f32
    %broadcast_in_dim3A_132 = vector.broadcast %broadcast_in_dim3A_131 : f32 to vector<16xf32>
    %swap3A_133 = arith.constant 352 : index
    %swap3A_134 = tpu.vector_load %arg8[%swap3A_133] {strides = array<i32>} : memref<640xf32, #tpu.memory_space<vmem>>, vector<16xf32>,
    %swap3A_135 = vector.shape_cast %swap3A_134 : vector<16xf32> to vector<16xf32>
    %swap3A_136 = vector.shape_cast %broadcast_in_dim3A_132 : vector<16xf32> to vector<16xf32>
    tpu.vector_store %arg8[%swap3A_133], %swap3A_136 {strides = array<i32>} : memref<640xf32, #tpu.memory_space<vmem>>, vector<16xf32>,
    %broadcast_in_dim3A_137 = arith.constant 0.000000e+00 : f32
    %broadcast_in_dim3A_138 = vector.broadcast %broadcast_in_dim3A_137 : f32 to vector<16xf32>
    %swap3A_139 = arith.constant 368 : index
    %swap3A_140 = tpu.vector_load %arg8[%swap3A_139] {strides = array<i32>} : memref<640xf32, #tpu.memory_space<vmem>>, vector<16xf32>,
    %swap3A_141 = vector.shape_cast %swap3A_140 : vector<16xf32> to vector<16xf32>
    %swap3A_142 = vector.shape_cast %broadcast_in_dim3A_138 : vector<16xf32> to vector<16xf32>
    tpu.vector_store %arg8[%swap3A_139], %swap3A_142 {strides = array<i32>} : memref<640xf32, #tpu.memory_space<vmem>>, vector<16xf32>,
    %broadcast_in_dim3A_143 = arith.constant 0.000000e+00 : f32
    %broadcast_in_dim3A_144 = vector.broadcast %broadcast_in_dim3A_143 : f32 to vector<16xf32>
    %swap3A_145 = arith.constant 384 : index
    %swap3A_146 = tpu.vector_load %arg8[%swap3A_145] {strides = array<i32>} : memref<640xf32, #tpu.memory_space<vmem>>, vector<16xf32>,
    %swap3A_147 = vector.shape_cast %swap3A_146 : vector<16xf32> to vector<16xf32>
    %swap3A_148 = vector.shape_cast %broadcast_in_dim3A_144 : vector<16xf32> to vector<16xf32>
    tpu.vector_store %arg8[%swap3A_145], %swap3A_148 {strides = array<i32>} : memref<640xf32, #tpu.memory_space<vmem>>, vector<16xf32>,
    %broadcast_in_dim3A_149 = arith.constant 0.000000e+00 : f32
    %broadcast_in_dim3A_150 = vector.broadcast %broadcast_in_dim3A_149 : f32 to vector<16xf32>
    %swap3A_151 = arith.constant 400 : index
    %swap3A_152 = tpu.vector_load %arg8[%swap3A_151] {strides = array<i32>} : memref<640xf32, #tpu.memory_space<vmem>>, vector<16xf32>,
    %swap3A_153 = vector.shape_cast %swap3A_152 : vector<16xf32> to vector<16xf32>
    %swap3A_154 = vector.shape_cast %broadcast_in_dim3A_150 : vector<16xf32> to vector<16xf32>
    tpu.vector_store %arg8[%swap3A_151], %swap3A_154 {strides = array<i32>} : memref<640xf32, #tpu.memory_space<vmem>>, vector<16xf32>,
    %broadcast_in_dim3A_155 = arith.constant 0.000000e+00 : f32
    %broadcast_in_dim3A_156 = vector.broadcast %broadcast_in_dim3A_155 : f32 to vector<16xf32>
    %swap3A_157 = arith.constant 416 : index
    %swap3A_158 = tpu.vector_load %arg8[%swap3A_157] {strides = array<i32>} : memref<640xf32, #tpu.memory_space<vmem>>, vector<16xf32>,
    %swap3A_159 = vector.shape_cast %swap3A_158 : vector<16xf32> to vector<16xf32>
    %swap3A_160 = vector.shape_cast %broadcast_in_dim3A_156 : vector<16xf32> to vector<16xf32>
    tpu.vector_store %arg8[%swap3A_157], %swap3A_160 {strides = array<i32>} : memref<640xf32, #tpu.memory_space<vmem>>, vector<16xf32>,
    %broadcast_in_dim3A_161 = arith.constant 0.000000e+00 : f32
    %broadcast_in_dim3A_162 = vector.broadcast %broadcast_in_dim3A_161 : f32 to vector<16xf32>
    %swap3A_163 = arith.constant 432 : index
    %swap3A_164 = tpu.vector_load %arg8[%swap3A_163] {strides = array<i32>} : memref<640xf32, #tpu.memory_space<vmem>>, vector<16xf32>,
    %swap3A_165 = vector.shape_cast %swap3A_164 : vector<16xf32> to vector<16xf32>
    %swap3A_166 = vector.shape_cast %broadcast_in_dim3A_162 : vector<16xf32> to vector<16xf32>
    tpu.vector_store %arg8[%swap3A_163], %swap3A_166 {strides = array<i32>} : memref<640xf32, #tpu.memory_space<vmem>>, vector<16xf32>,
    %broadcast_in_dim3A_167 = arith.constant 0.000000e+00 : f32
    %broadcast_in_dim3A_168 = vector.broadcast %broadcast_in_dim3A_167 : f32 to vector<16xf32>
    %swap3A_169 = arith.constant 448 : index
    %swap3A_170 = tpu.vector_load %arg8[%swap3A_169] {strides = array<i32>} : memref<640xf32, #tpu.memory_space<vmem>>, vector<16xf32>,
    %swap3A_171 = vector.shape_cast %swap3A_170 : vector<16xf32> to vector<16xf32>
    %swap3A_172 = vector.shape_cast %broadcast_in_dim3A_168 : vector<16xf32> to vector<16xf32>
    tpu.vector_store %arg8[%swap3A_169], %swap3A_172 {strides = array<i32>} : memref<640xf32, #tpu.memory_space<vmem>>, vector<16xf32>,
    %broadcast_in_dim3A_173 = arith.constant 0.000000e+00 : f32
    %broadcast_in_dim3A_174 = vector.broadcast %broadcast_in_dim3A_173 : f32 to vector<16xf32>
    %swap3A_175 = arith.constant 464 : index
    %swap3A_176 = tpu.vector_load %arg8[%swap3A_175] {strides = array<i32>} : memref<640xf32, #tpu.memory_space<vmem>>, vector<16xf32>,
    %swap3A_177 = vector.shape_cast %swap3A_176 : vector<16xf32> to vector<16xf32>
    %swap3A_178 = vector.shape_cast %broadcast_in_dim3A_174 : vector<16xf32> to vector<16xf32>
    tpu.vector_store %arg8[%swap3A_175], %swap3A_178 {strides = array<i32>} : memref<640xf32, #tpu.memory_space<vmem>>, vector<16xf32>,
    %broadcast_in_dim3A_179 = arith.constant 0.000000e+00 : f32
    %broadcast_in_dim3A_180 = vector.broadcast %broadcast_in_dim3A_179 : f32 to vector<16xf32>
    %swap3A_181 = arith.constant 480 : index
    %swap3A_182 = tpu.vector_load %arg8[%swap3A_181] {strides = array<i32>} : memref<640xf32, #tpu.memory_space<vmem>>, vector<16xf32>,
    %swap3A_183 = vector.shape_cast %swap3A_182 : vector<16xf32> to vector<16xf32>
    %swap3A_184 = vector.shape_cast %broadcast_in_dim3A_180 : vector<16xf32> to vector<16xf32>
    tpu.vector_store %arg8[%swap3A_181], %swap3A_184 {strides = array<i32>} : memref<640xf32, #tpu.memory_space<vmem>>, vector<16xf32>,
    %broadcast_in_dim3A_185 = arith.constant 0.000000e+00 : f32
    %broadcast_in_dim3A_186 = vector.broadcast %broadcast_in_dim3A_185 : f32 to vector<16xf32>
    %swap3A_187 = arith.constant 496 : index
    %swap3A_188 = tpu.vector_load %arg8[%swap3A_187] {strides = array<i32>} : memref<640xf32, #tpu.memory_space<vmem>>, vector<16xf32>,
    %swap3A_189 = vector.shape_cast %swap3A_188 : vector<16xf32> to vector<16xf32>
    %swap3A_190 = vector.shape_cast %broadcast_in_dim3A_186 : vector<16xf32> to vector<16xf32>
    tpu.vector_store %arg8[%swap3A_187], %swap3A_190 {strides = array<i32>} : memref<640xf32, #tpu.memory_space<vmem>>, vector<16xf32>,
    %broadcast_in_dim3A_191 = arith.constant 0.000000e+00 : f32
    %broadcast_in_dim3A_192 = vector.broadcast %broadcast_in_dim3A_191 : f32 to vector<16xf32>
    %swap3A_193 = arith.constant 512 : index
    %swap3A_194 = tpu.vector_load %arg8[%swap3A_193] {strides = array<i32>} : memref<640xf32, #tpu.memory_space<vmem>>, vector<16xf32>,
    %swap3A_195 = vector.shape_cast %swap3A_194 : vector<16xf32> to vector<16xf32>
    %swap3A_196 = vector.shape_cast %broadcast_in_dim3A_192 : vector<16xf32> to vector<16xf32>
    tpu.vector_store %arg8[%swap3A_193], %swap3A_196 {strides = array<i32>} : memref<640xf32, #tpu.memory_space<vmem>>, vector<16xf32>,
    %broadcast_in_dim3A_197 = arith.constant 0.000000e+00 : f32
    %broadcast_in_dim3A_198 = vector.broadcast %broadcast_in_dim3A_197 : f32 to vector<16xf32>
    %swap3A_199 = arith.constant 528 : index
    %swap3A_200 = tpu.vector_load %arg8[%swap3A_199] {strides = array<i32>} : memref<640xf32, #tpu.memory_space<vmem>>, vector<16xf32>,
    %swap3A_201 = vector.shape_cast %swap3A_200 : vector<16xf32> to vector<16xf32>
    %swap3A_202 = vector.shape_cast %broadcast_in_dim3A_198 : vector<16xf32> to vector<16xf32>
    tpu.vector_store %arg8[%swap3A_199], %swap3A_202 {strides = array<i32>} : memref<640xf32, #tpu.memory_space<vmem>>, vector<16xf32>,
    %broadcast_in_dim3A_203 = arith.constant 0.000000e+00 : f32
    %broadcast_in_dim3A_204 = vector.broadcast %broadcast_in_dim3A_203 : f32 to vector<16xf32>
    %swap3A_205 = arith.constant 544 : index
    %swap3A_206 = tpu.vector_load %arg8[%swap3A_205] {strides = array<i32>} : memref<640xf32, #tpu.memory_space<vmem>>, vector<16xf32>,
    %swap3A_207 = vector.shape_cast %swap3A_206 : vector<16xf32> to vector<16xf32>
    %swap3A_208 = vector.shape_cast %broadcast_in_dim3A_204 : vector<16xf32> to vector<16xf32>
    tpu.vector_store %arg8[%swap3A_205], %swap3A_208 {strides = array<i32>} : memref<640xf32, #tpu.memory_space<vmem>>, vector<16xf32>,
    %broadcast_in_dim3A_209 = arith.constant 0.000000e+00 : f32
    %broadcast_in_dim3A_210 = vector.broadcast %broadcast_in_dim3A_209 : f32 to vector<16xf32>
    %swap3A_211 = arith.constant 560 : index
    %swap3A_212 = tpu.vector_load %arg8[%swap3A_211] {strides = array<i32>} : memref<640xf32, #tpu.memory_space<vmem>>, vector<16xf32>,
    %swap3A_213 = vector.shape_cast %swap3A_212 : vector<16xf32> to vector<16xf32>
    %swap3A_214 = vector.shape_cast %broadcast_in_dim3A_210 : vector<16xf32> to vector<16xf32>
    tpu.vector_store %arg8[%swap3A_211], %swap3A_214 {strides = array<i32>} : memref<640xf32, #tpu.memory_space<vmem>>, vector<16xf32>,
    %broadcast_in_dim3A_215 = arith.constant 0.000000e+00 : f32
    %broadcast_in_dim3A_216 = vector.broadcast %broadcast_in_dim3A_215 : f32 to vector<16xf32>
    %swap3A_217 = arith.constant 576 : index
    %swap3A_218 = tpu.vector_load %arg8[%swap3A_217] {strides = array<i32>} : memref<640xf32, #tpu.memory_space<vmem>>, vector<16xf32>,
    %swap3A_219 = vector.shape_cast %swap3A_218 : vector<16xf32> to vector<16xf32>
    %swap3A_220 = vector.shape_cast %broadcast_in_dim3A_216 : vector<16xf32> to vector<16xf32>
    tpu.vector_store %arg8[%swap3A_217], %swap3A_220 {strides = array<i32>} : memref<640xf32, #tpu.memory_space<vmem>>, vector<16xf32>,
    %broadcast_in_dim3A_221 = arith.constant 0.000000e+00 : f32
    %broadcast_in_dim3A_222 = vector.broadcast %broadcast_in_dim3A_221 : f32 to vector<16xf32>
    %swap3A_223 = arith.constant 592 : index
    %swap3A_224 = tpu.vector_load %arg8[%swap3A_223] {strides = array<i32>} : memref<640xf32, #tpu.memory_space<vmem>>, vector<16xf32>,
    %swap3A_225 = vector.shape_cast %swap3A_224 : vector<16xf32> to vector<16xf32>
    %swap3A_226 = vector.shape_cast %broadcast_in_dim3A_222 : vector<16xf32> to vector<16xf32>
    tpu.vector_store %arg8[%swap3A_223], %swap3A_226 {strides = array<i32>} : memref<640xf32, #tpu.memory_space<vmem>>, vector<16xf32>,
    %broadcast_in_dim3A_227 = arith.constant 0.000000e+00 : f32
    %broadcast_in_dim3A_228 = vector.broadcast %broadcast_in_dim3A_227 : f32 to vector<16xf32>
    %swap3A_229 = arith.constant 608 : index
    %swap3A_230 = tpu.vector_load %arg8[%swap3A_229] {strides = array<i32>} : memref<640xf32, #tpu.memory_space<vmem>>, vector<16xf32>,
    %swap3A_231 = vector.shape_cast %swap3A_230 : vector<16xf32> to vector<16xf32>
    %swap3A_232 = vector.shape_cast %broadcast_in_dim3A_228 : vector<16xf32> to vector<16xf32>
    tpu.vector_store %arg8[%swap3A_229], %swap3A_232 {strides = array<i32>} : memref<640xf32, #tpu.memory_space<vmem>>, vector<16xf32>,
    %broadcast_in_dim3A_233 = arith.constant 0.000000e+00 : f32
    %broadcast_in_dim3A_234 = vector.broadcast %broadcast_in_dim3A_233 : f32 to vector<16xf32>
    %swap3A_235 = arith.constant 624 : index
    %swap3A_236 = tpu.vector_load %arg8[%swap3A_235] {strides = array<i32>} : memref<640xf32, #tpu.memory_space<vmem>>, vector<16xf32>,
    %swap3A_237 = vector.shape_cast %swap3A_236 : vector<16xf32> to vector<16xf32>
    %swap3A_238 = vector.shape_cast %broadcast_in_dim3A_234 : vector<16xf32> to vector<16xf32>
    tpu.vector_store %arg8[%swap3A_235], %swap3A_238 {strides = array<i32>} : memref<640xf32, #tpu.memory_space<vmem>>, vector<16xf32>,
    %broadcast_in_dim3A_239 = arith.constant 1.000000e+00 : f32
    %broadcast_in_dim3A_240 = vector.broadcast %broadcast_in_dim3A_239 : f32 to vector<16xf32>
    %swap3A_241 = arith.constant 0 : index
    %swap3A_242 = tpu.vector_load %arg7[%swap3A_241] {strides = array<i32>} : memref<128xf32, #tpu.memory_space<vmem>>, vector<16xf32>,
    %swap3A_243 = vector.shape_cast %swap3A_242 : vector<16xf32> to vector<16xf32>
    %swap3A_244 = vector.shape_cast %broadcast_in_dim3A_240 : vector<16xf32> to vector<16xf32>
    tpu.vector_store %arg7[%swap3A_241], %swap3A_244 {strides = array<i32>} : memref<128xf32, #tpu.memory_space<vmem>>, vector<16xf32>,
    %broadcast_in_dim3A_245 = arith.constant 1.000000e+00 : f32
    %broadcast_in_dim3A_246 = vector.broadcast %broadcast_in_dim3A_245 : f32 to vector<16xf32>
    %swap3A_247 = arith.constant 16 : index
    %swap3A_248 = tpu.vector_load %arg7[%swap3A_247] {strides = array<i32>} : memref<128xf32, #tpu.memory_space<vmem>>, vector<16xf32>,
    %swap3A_249 = vector.shape_cast %swap3A_248 : vector<16xf32> to vector<16xf32>
    %swap3A_250 = vector.shape_cast %broadcast_in_dim3A_246 : vector<16xf32> to vector<16xf32>
    tpu.vector_store %arg7[%swap3A_247], %swap3A_250 {strides = array<i32>} : memref<128xf32, #tpu.memory_space<vmem>>, vector<16xf32>,
    %broadcast_in_dim3A_251 = arith.constant 1.000000e+00 : f32
    %broadcast_in_dim3A_252 = vector.broadcast %broadcast_in_dim3A_251 : f32 to vector<16xf32>
    %swap3A_253 = arith.constant 32 : index
    %swap3A_254 = tpu.vector_load %arg7[%swap3A_253] {strides = array<i32>} : memref<128xf32, #tpu.memory_space<vmem>>, vector<16xf32>,
    %swap3A_255 = vector.shape_cast %swap3A_254 : vector<16xf32> to vector<16xf32>
    %swap3A_256 = vector.shape_cast %broadcast_in_dim3A_252 : vector<16xf32> to vector<16xf32>
    tpu.vector_store %arg7[%swap3A_253], %swap3A_256 {strides = array<i32>} : memref<128xf32, #tpu.memory_space<vmem>>, vector<16xf32>,
    %broadcast_in_dim3A_257 = arith.constant 1.000000e+00 : f32
    %broadcast_in_dim3A_258 = vector.broadcast %broadcast_in_dim3A_257 : f32 to vector<16xf32>
    %swap3A_259 = arith.constant 48 : index
    %swap3A_260 = tpu.vector_load %arg7[%swap3A_259] {strides = array<i32>} : memref<128xf32, #tpu.memory_space<vmem>>, vector<16xf32>,
    %swap3A_261 = vector.shape_cast %swap3A_260 : vector<16xf32> to vector<16xf32>
    %swap3A_262 = vector.shape_cast %broadcast_in_dim3A_258 : vector<16xf32> to vector<16xf32>
    tpu.vector_store %arg7[%swap3A_259], %swap3A_262 {strides = array<i32>} : memref<128xf32, #tpu.memory_space<vmem>>, vector<16xf32>,
    %broadcast_in_dim3A_263 = arith.constant 1.000000e+00 : f32
    %broadcast_in_dim3A_264 = vector.broadcast %broadcast_in_dim3A_263 : f32 to vector<16xf32>
    %swap3A_265 = arith.constant 64 : index
    %swap3A_266 = tpu.vector_load %arg7[%swap3A_265] {strides = array<i32>} : memref<128xf32, #tpu.memory_space<vmem>>, vector<16xf32>,
    %swap3A_267 = vector.shape_cast %swap3A_266 : vector<16xf32> to vector<16xf32>
    %swap3A_268 = vector.shape_cast %broadcast_in_dim3A_264 : vector<16xf32> to vector<16xf32>
    tpu.vector_store %arg7[%swap3A_265], %swap3A_268 {strides = array<i32>} : memref<128xf32, #tpu.memory_space<vmem>>, vector<16xf32>,
    %broadcast_in_dim3A_269 = arith.constant 1.000000e+00 : f32
    %broadcast_in_dim3A_270 = vector.broadcast %broadcast_in_dim3A_269 : f32 to vector<16xf32>
    %swap3A_271 = arith.constant 80 : index
    %swap3A_272 = tpu.vector_load %arg7[%swap3A_271] {strides = array<i32>} : memref<128xf32, #tpu.memory_space<vmem>>, vector<16xf32>,
    %swap3A_273 = vector.shape_cast %swap3A_272 : vector<16xf32> to vector<16xf32>
    %swap3A_274 = vector.shape_cast %broadcast_in_dim3A_270 : vector<16xf32> to vector<16xf32>
    tpu.vector_store %arg7[%swap3A_271], %swap3A_274 {strides = array<i32>} : memref<128xf32, #tpu.memory_space<vmem>>, vector<16xf32>,
    %broadcast_in_dim3A_275 = arith.constant 1.000000e+00 : f32
    %broadcast_in_dim3A_276 = vector.broadcast %broadcast_in_dim3A_275 : f32 to vector<16xf32>
    %swap3A_277 = arith.constant 96 : index
    %swap3A_278 = tpu.vector_load %arg7[%swap3A_277] {strides = array<i32>} : memref<128xf32, #tpu.memory_space<vmem>>, vector<16xf32>,
    %swap3A_279 = vector.shape_cast %swap3A_278 : vector<16xf32> to vector<16xf32>
    %swap3A_280 = vector.shape_cast %broadcast_in_dim3A_276 : vector<16xf32> to vector<16xf32>
    tpu.vector_store %arg7[%swap3A_277], %swap3A_280 {strides = array<i32>} : memref<128xf32, #tpu.memory_space<vmem>>, vector<16xf32>,
    %broadcast_in_dim3A_281 = arith.constant 1.000000e+00 : f32
    %broadcast_in_dim3A_282 = vector.broadcast %broadcast_in_dim3A_281 : f32 to vector<16xf32>
    %swap3A_283 = arith.constant 112 : index
    %swap3A_284 = tpu.vector_load %arg7[%swap3A_283] {strides = array<i32>} : memref<128xf32, #tpu.memory_space<vmem>>, vector<16xf32>,
    %swap3A_285 = vector.shape_cast %swap3A_284 : vector<16xf32> to vector<16xf32>
    %swap3A_286 = vector.shape_cast %broadcast_in_dim3A_282 : vector<16xf32> to vector<16xf32>
    tpu.vector_store %arg7[%swap3A_283], %swap3A_286 {strides = array<i32>} : memref<128xf32, #tpu.memory_space<vmem>>, vector<16xf32>,
    %mul3A_287 = arith.constant 640 : i32
    %mul3A_288 = arith.muli %arg1, %mul3A_287 : i32
    "tpu.region"() ({
      %run_scoped3A_310 = tpu.sem_alloc : memref<!tpu.dma_semaphore, #tpu.memory_space<semaphore_mem>>
      %dma_start3A = tpu.memref_slice %arg9[%mul3A_288] : memref<10240xf32, #tpu.memory_space<vmem_shared>> -> memref<640xf32, #tpu.memory_space<vmem_shared>>
      %dma_start3A_311 = tpu.memref_slice %arg9[%mul3A_288] : memref<10240xf32, #tpu.memory_space<vmem_shared>> -> memref<640xf32, #tpu.memory_space<vmem_shared>>
      tpu.enqueue_dma source(%arg8 : memref<640xf32, #tpu.memory_space<vmem>>) target(%dma_start3A_311 : memref<640xf32, #tpu.memory_space<vmem_shared>>) target_semaphore(%run_scoped3A_310 : memref<!tpu.dma_semaphore, #tpu.memory_space<semaphore_mem>>)
      %dma_wait3A = tpu.memref_slice %arg9[%mul3A_288] : memref<10240xf32, #tpu.memory_space<vmem_shared>> -> memref<640xf32, #tpu.memory_space<vmem_shared>>
      %dma_wait3A_312 = tpu.memref_slice %arg9[%mul3A_288] : memref<10240xf32, #tpu.memory_space<vmem_shared>> -> memref<640xf32, #tpu.memory_space<vmem_shared>>
      tpu.wait_dma2 semaphore(%run_scoped3A_310 : memref<!tpu.dma_semaphore, #tpu.memory_space<semaphore_mem>>) src(%arg8 : memref<640xf32, #tpu.memory_space<vmem>>) dst(%dma_wait3A_312 : memref<640xf32, #tpu.memory_space<vmem_shared>>)
      tpu.yield
    }) : () -> ()
    %mul3A_289 = arith.constant 640 : i32
    %mul3A_290 = arith.muli %arg1, %mul3A_289 : i32
    "tpu.region"() ({
      %run_scoped3A_310 = tpu.sem_alloc : memref<!tpu.dma_semaphore, #tpu.memory_space<semaphore_mem>>
      %dma_start3A = tpu.memref_slice %arg10[%mul3A_290] : memref<10240xf32, #tpu.memory_space<vmem_shared>> -> memref<640xf32, #tpu.memory_space<vmem_shared>>
      %dma_start3A_311 = tpu.memref_slice %arg10[%mul3A_290] : memref<10240xf32, #tpu.memory_space<vmem_shared>> -> memref<640xf32, #tpu.memory_space<vmem_shared>>
      tpu.enqueue_dma source(%arg8 : memref<640xf32, #tpu.memory_space<vmem>>) target(%dma_start3A_311 : memref<640xf32, #tpu.memory_space<vmem_shared>>) target_semaphore(%run_scoped3A_310 : memref<!tpu.dma_semaphore, #tpu.memory_space<semaphore_mem>>)
      %dma_wait3A = tpu.memref_slice %arg10[%mul3A_290] : memref<10240xf32, #tpu.memory_space<vmem_shared>> -> memref<640xf32, #tpu.memory_space<vmem_shared>>
      %dma_wait3A_312 = tpu.memref_slice %arg10[%mul3A_290] : memref<10240xf32, #tpu.memory_space<vmem_shared>> -> memref<640xf32, #tpu.memory_space<vmem_shared>>
      tpu.wait_dma2 semaphore(%run_scoped3A_310 : memref<!tpu.dma_semaphore, #tpu.memory_space<semaphore_mem>>) src(%arg8 : memref<640xf32, #tpu.memory_space<vmem>>) dst(%dma_wait3A_312 : memref<640xf32, #tpu.memory_space<vmem_shared>>)
      tpu.yield
    }) : () -> ()
    %barrier3A = arith.constant 0 : index
    tpu.barrier barrier_id(%barrier3A)
    %mul3A_291 = arith.constant 80 : i32
    %mul3A_292 = arith.muli %add3A, %mul3A_291 : i32
    "tpu.region"() ({
      %run_scoped3A_310 = tpu.sem_alloc : memref<!tpu.dma_semaphore, #tpu.memory_space<semaphore_mem>>
      %dma_start3A = arith.constant 0 : i32
      %dma_start3A_311 = tpu.memref_slice %arg2[%mul3A_292, %dma_start3A] : memref<2560x128xi32, #tpu.memory_space<hbm>> -> memref<80x128xi32, #tpu.memory_space<hbm>>
      %dma_start3A_312 = arith.constant 0 : i32
      %dma_start3A_313 = tpu.memref_slice %arg2[%mul3A_292, %dma_start3A_312] : memref<2560x128xi32, #tpu.memory_space<hbm>> -> memref<80x128xi32, #tpu.memory_space<hbm>>
      tpu.enqueue_dma source(%dma_start3A_313 : memref<80x128xi32, #tpu.memory_space<hbm>>) target(%arg5 : memref<80x128xi32, #tpu.memory_space<vmem>>) target_semaphore(%run_scoped3A_310 : memref<!tpu.dma_semaphore, #tpu.memory_space<semaphore_mem>>)
      %dma_wait3A = arith.constant 0 : i32
      %dma_wait3A_314 = tpu.memref_slice %arg2[%mul3A_292, %dma_wait3A] : memref<2560x128xi32, #tpu.memory_space<hbm>> -> memref<80x128xi32, #tpu.memory_space<hbm>>
      %dma_wait3A_315 = arith.constant 0 : i32
      %dma_wait3A_316 = tpu.memref_slice %arg2[%mul3A_292, %dma_wait3A_315] : memref<2560x128xi32, #tpu.memory_space<hbm>> -> memref<80x128xi32, #tpu.memory_space<hbm>>
      tpu.wait_dma2 semaphore(%run_scoped3A_310 : memref<!tpu.dma_semaphore, #tpu.memory_space<semaphore_mem>>) src(%dma_wait3A_316 : memref<80x128xi32, #tpu.memory_space<hbm>>) dst(%arg5 : memref<80x128xi32, #tpu.memory_space<vmem>>)
      tpu.yield
    }) : () -> ()
    %mul3A_293 = arith.constant 80 : i32
    %mul3A_294 = arith.muli %add3A, %mul3A_293 : i32
    "tpu.region"() ({
      %run_scoped3A_310 = tpu.sem_alloc : memref<!tpu.dma_semaphore, #tpu.memory_space<semaphore_mem>>
      %dma_start3A = arith.constant 0 : i32
      %dma_start3A_311 = tpu.memref_slice %arg3[%mul3A_294, %dma_start3A] : memref<2560x128xi32, #tpu.memory_space<hbm>> -> memref<80x128xi32, #tpu.memory_space<hbm>>
      %dma_start3A_312 = arith.constant 0 : i32
      %dma_start3A_313 = tpu.memref_slice %arg3[%mul3A_294, %dma_start3A_312] : memref<2560x128xi32, #tpu.memory_space<hbm>> -> memref<80x128xi32, #tpu.memory_space<hbm>>
      tpu.enqueue_dma source(%dma_start3A_313 : memref<80x128xi32, #tpu.memory_space<hbm>>) target(%arg6 : memref<80x128xi32, #tpu.memory_space<vmem>>) target_semaphore(%run_scoped3A_310 : memref<!tpu.dma_semaphore, #tpu.memory_space<semaphore_mem>>)
      %dma_wait3A = arith.constant 0 : i32
      %dma_wait3A_314 = tpu.memref_slice %arg3[%mul3A_294, %dma_wait3A] : memref<2560x128xi32, #tpu.memory_space<hbm>> -> memref<80x128xi32, #tpu.memory_space<hbm>>
      %dma_wait3A_315 = arith.constant 0 : i32
      %dma_wait3A_316 = tpu.memref_slice %arg3[%mul3A_294, %dma_wait3A_315] : memref<2560x128xi32, #tpu.memory_space<hbm>> -> memref<80x128xi32, #tpu.memory_space<hbm>>
      tpu.wait_dma2 semaphore(%run_scoped3A_310 : memref<!tpu.dma_semaphore, #tpu.memory_space<semaphore_mem>>) src(%dma_wait3A_316 : memref<80x128xi32, #tpu.memory_space<hbm>>) dst(%arg6 : memref<80x128xi32, #tpu.memory_space<vmem>>)
      tpu.yield
    }) : () -> ()
    %scan3A = arith.constant 0 : i32
    %scan3A_295 = arith.constant 0 : i32
    %scan3A_296 = arith.constant 80 : i32
    %scan3A_297 = arith.addi %scan3A_295, %scan3A_296 : i32
    %scan3A_298 = arith.constant 1 : i32
    scf.for %scan3A_310 = %scan3A_295 to %scan3A_297 step %scan3A_298  : i32 {
      "tpu.region"() ({
        %run_scoped3A_311 = tpu.sem_alloc : memref<!tpu.dma_semaphore, #tpu.memory_space<semaphore_mem>>
        %dma_start3A = arith.constant 0 : i32
        %dma_start3A_312 = tpu.memref_slice %arg5[%scan3A_310, %dma_start3A] : memref<80x128xi32, #tpu.memory_space<vmem>> -> memref<1x128xi32, #tpu.memory_space<vmem>>
        %dma_start3A_313 = tpu.memref_squeeze %dma_start3A_312 : memref<1x128xi32, #tpu.memory_space<vmem>> -> memref<128xi32, #tpu.memory_space<vmem>>
        %dma_start3A_314 = arith.constant 0 : i32
        %dma_start3A_315 = tpu.memref_slice %arg9[%dma_start3A_314] : memref<10240xf32, #tpu.memory_space<vmem_shared>> -> memref<10240xf32, #tpu.memory_space<vmem_shared>>
        tpu.enqueue_indirect_dma source(%arg7 : memref<128xf32, #tpu.memory_space<vmem>>) target(%dma_start3A_315 : memref<10240xf32, #tpu.memory_space<vmem_shared>>) offsets(%dma_start3A_313 : memref<128xi32, #tpu.memory_space<vmem>>) semaphore(%run_scoped3A_311 : memref<!tpu.dma_semaphore, #tpu.memory_space<semaphore_mem>>) {add = true}
        %dma_wait3A = arith.constant 0 : i32
        %dma_wait3A_316 = tpu.memref_slice %arg5[%scan3A_310, %dma_wait3A] : memref<80x128xi32, #tpu.memory_space<vmem>> -> memref<1x128xi32, #tpu.memory_space<vmem>>
        %dma_wait3A_317 = tpu.memref_squeeze %dma_wait3A_316 : memref<1x128xi32, #tpu.memory_space<vmem>> -> memref<128xi32, #tpu.memory_space<vmem>>
        %dma_wait3A_318 = arith.constant 0 : i32
        %dma_wait3A_319 = tpu.memref_slice %arg9[%dma_wait3A_318] : memref<10240xf32, #tpu.memory_space<vmem_shared>> -> memref<10240xf32, #tpu.memory_space<vmem_shared>>
        tpu.wait_indirect_dma semaphore(%run_scoped3A_311 : memref<!tpu.dma_semaphore, #tpu.memory_space<semaphore_mem>>) src(%arg7 : memref<128xf32, #tpu.memory_space<vmem>>) dst(%dma_wait3A_319 : memref<10240xf32, #tpu.memory_space<vmem_shared>>)
        tpu.yield
      }) : () -> ()
      "tpu.region"() ({
        %run_scoped3A_311 = tpu.sem_alloc : memref<!tpu.dma_semaphore, #tpu.memory_space<semaphore_mem>>
        %dma_start3A = arith.constant 0 : i32
        %dma_start3A_312 = tpu.memref_slice %arg6[%scan3A_310, %dma_start3A] : memref<80x128xi32, #tpu.memory_space<vmem>> -> memref<1x128xi32, #tpu.memory_space<vmem>>
        %dma_start3A_313 = tpu.memref_squeeze %dma_start3A_312 : memref<1x128xi32, #tpu.memory_space<vmem>> -> memref<128xi32, #tpu.memory_space<vmem>>
        %dma_start3A_314 = arith.constant 0 : i32
        %dma_start3A_315 = tpu.memref_slice %arg10[%dma_start3A_314] : memref<10240xf32, #tpu.memory_space<vmem_shared>> -> memref<10240xf32, #tpu.memory_space<vmem_shared>>
        tpu.enqueue_indirect_dma source(%arg7 : memref<128xf32, #tpu.memory_space<vmem>>) target(%dma_start3A_315 : memref<10240xf32, #tpu.memory_space<vmem_shared>>) offsets(%dma_start3A_313 : memref<128xi32, #tpu.memory_space<vmem>>) semaphore(%run_scoped3A_311 : memref<!tpu.dma_semaphore, #tpu.memory_space<semaphore_mem>>) {add = true}
        %dma_wait3A = arith.constant 0 : i32
        %dma_wait3A_316 = tpu.memref_slice %arg6[%scan3A_310, %dma_wait3A] : memref<80x128xi32, #tpu.memory_space<vmem>> -> memref<1x128xi32, #tpu.memory_space<vmem>>
        %dma_wait3A_317 = tpu.memref_squeeze %dma_wait3A_316 : memref<1x128xi32, #tpu.memory_space<vmem>> -> memref<128xi32, #tpu.memory_space<vmem>>
        %dma_wait3A_318 = arith.constant 0 : i32
        %dma_wait3A_319 = tpu.memref_slice %arg10[%dma_wait3A_318] : memref<10240xf32, #tpu.memory_space<vmem_shared>> -> memref<10240xf32, #tpu.memory_space<vmem_shared>>
        tpu.wait_indirect_dma semaphore(%run_scoped3A_311 : memref<!tpu.dma_semaphore, #tpu.memory_space<semaphore_mem>>) src(%arg7 : memref<128xf32, #tpu.memory_space<vmem>>) dst(%dma_wait3A_319 : memref<10240xf32, #tpu.memory_space<vmem_shared>>)
        tpu.yield
      }) : () -> ()
    }
    %scan3A_299 = arith.constant 80 : i32
    %barrier3A_300 = arith.constant 0 : index
    tpu.barrier barrier_id(%barrier3A_300)
    %mul3A_301 = arith.constant 640 : i32
    %mul3A_302 = arith.muli %arg1, %mul3A_301 : i32
    "tpu.region"() ({
      %run_scoped3A_310 = tpu.sem_alloc : memref<!tpu.dma_semaphore, #tpu.memory_space<semaphore_mem>>
      %dma_start3A = tpu.memref_slice %arg9[%mul3A_302] : memref<10240xf32, #tpu.memory_space<vmem_shared>> -> memref<640xf32, #tpu.memory_space<vmem_shared>>
      %dma_start3A_311 = tpu.memref_slice %arg9[%mul3A_302] : memref<10240xf32, #tpu.memory_space<vmem_shared>> -> memref<640xf32, #tpu.memory_space<vmem_shared>>
      tpu.enqueue_dma source(%dma_start3A_311 : memref<640xf32, #tpu.memory_space<vmem_shared>>) target(%arg8 : memref<640xf32, #tpu.memory_space<vmem>>) target_semaphore(%run_scoped3A_310 : memref<!tpu.dma_semaphore, #tpu.memory_space<semaphore_mem>>)
      %dma_wait3A = tpu.memref_slice %arg9[%mul3A_302] : memref<10240xf32, #tpu.memory_space<vmem_shared>> -> memref<640xf32, #tpu.memory_space<vmem_shared>>
      %dma_wait3A_312 = tpu.memref_slice %arg9[%mul3A_302] : memref<10240xf32, #tpu.memory_space<vmem_shared>> -> memref<640xf32, #tpu.memory_space<vmem_shared>>
      tpu.wait_dma2 semaphore(%run_scoped3A_310 : memref<!tpu.dma_semaphore, #tpu.memory_space<semaphore_mem>>) src(%dma_wait3A_312 : memref<640xf32, #tpu.memory_space<vmem_shared>>) dst(%arg8 : memref<640xf32, #tpu.memory_space<vmem>>)
      tpu.yield
    }) : () -> ()
    %mul3A_303 = arith.constant 640 : i32
    %mul3A_304 = arith.muli %arg1, %mul3A_303 : i32
    %run_scoped3A = arith.constant 0 : i32
    "tpu.region"() ({
      %run_scoped3A_310 = tpu.sem_alloc : memref<!tpu.dma_semaphore, #tpu.memory_space<semaphore_mem>>
      %dma_start3A = tpu.memref_slice %arg4[%arg0, %run_scoped3A, %mul3A_304] : memref<2x2x10240xf32, #tpu.memory_space<hbm>> -> memref<1x1x640xf32, #tpu.memory_space<hbm>>
      %dma_start3A_311 = tpu.memref_squeeze %dma_start3A : memref<1x1x640xf32, #tpu.memory_space<hbm>> -> memref<640xf32, #tpu.memory_space<hbm>>
      %dma_start3A_312 = tpu.memref_slice %arg4[%arg0, %run_scoped3A, %mul3A_304] : memref<2x2x10240xf32, #tpu.memory_space<hbm>> -> memref<1x1x640xf32, #tpu.memory_space<hbm>>
      %dma_start3A_313 = tpu.memref_squeeze %dma_start3A_312 : memref<1x1x640xf32, #tpu.memory_space<hbm>> -> memref<640xf32, #tpu.memory_space<hbm>>
      tpu.enqueue_dma source(%arg8 : memref<640xf32, #tpu.memory_space<vmem>>) target(%dma_start3A_313 : memref<640xf32, #tpu.memory_space<hbm>>) target_semaphore(%run_scoped3A_310 : memref<!tpu.dma_semaphore, #tpu.memory_space<semaphore_mem>>)
      %dma_wait3A = tpu.memref_slice %arg4[%arg0, %run_scoped3A, %mul3A_304] : memref<2x2x10240xf32, #tpu.memory_space<hbm>> -> memref<1x1x640xf32, #tpu.memory_space<hbm>>
      %dma_wait3A_314 = tpu.memref_squeeze %dma_wait3A : memref<1x1x640xf32, #tpu.memory_space<hbm>> -> memref<640xf32, #tpu.memory_space<hbm>>
      %dma_wait3A_315 = tpu.memref_slice %arg4[%arg0, %run_scoped3A, %mul3A_304] : memref<2x2x10240xf32, #tpu.memory_space<hbm>> -> memref<1x1x640xf32, #tpu.memory_space<hbm>>
      %dma_wait3A_316 = tpu.memref_squeeze %dma_wait3A_315 : memref<1x1x640xf32, #tpu.memory_space<hbm>> -> memref<640xf32, #tpu.memory_space<hbm>>
      tpu.wait_dma2 semaphore(%run_scoped3A_310 : memref<!tpu.dma_semaphore, #tpu.memory_space<semaphore_mem>>) src(%arg8 : memref<640xf32, #tpu.memory_space<vmem>>) dst(%dma_wait3A_316 : memref<640xf32, #tpu.memory_space<hbm>>)
      tpu.yield
    }) : () -> ()
    %mul3A_305 = arith.constant 640 : i32
    %mul3A_306 = arith.muli %arg1, %mul3A_305 : i32
    "tpu.region"() ({
      %run_scoped3A_310 = tpu.sem_alloc : memref<!tpu.dma_semaphore, #tpu.memory_space<semaphore_mem>>
      %dma_start3A = tpu.memref_slice %arg10[%mul3A_306] : memref<10240xf32, #tpu.memory_space<vmem_shared>> -> memref<640xf32, #tpu.memory_space<vmem_shared>>
      %dma_start3A_311 = tpu.memref_slice %arg10[%mul3A_306] : memref<10240xf32, #tpu.memory_space<vmem_shared>> -> memref<640xf32, #tpu.memory_space<vmem_shared>>
      tpu.enqueue_dma source(%dma_start3A_311 : memref<640xf32, #tpu.memory_space<vmem_shared>>) target(%arg8 : memref<640xf32, #tpu.memory_space<vmem>>) target_semaphore(%run_scoped3A_310 : memref<!tpu.dma_semaphore, #tpu.memory_space<semaphore_mem>>)
      %dma_wait3A = tpu.memref_slice %arg10[%mul3A_306] : memref<10240xf32, #tpu.memory_space<vmem_shared>> -> memref<640xf32, #tpu.memory_space<vmem_shared>>
      %dma_wait3A_312 = tpu.memref_slice %arg10[%mul3A_306] : memref<10240xf32, #tpu.memory_space<vmem_shared>> -> memref<640xf32, #tpu.memory_space<vmem_shared>>
      tpu.wait_dma2 semaphore(%run_scoped3A_310 : memref<!tpu.dma_semaphore, #tpu.memory_space<semaphore_mem>>) src(%dma_wait3A_312 : memref<640xf32, #tpu.memory_space<vmem_shared>>) dst(%arg8 : memref<640xf32, #tpu.memory_space<vmem>>)
      tpu.yield
    }) : () -> ()
    %mul3A_307 = arith.constant 640 : i32
    %mul3A_308 = arith.muli %arg1, %mul3A_307 : i32
    %run_scoped3A_309 = arith.constant 1 : i32
    "tpu.region"() ({
      %run_scoped3A_310 = tpu.sem_alloc : memref<!tpu.dma_semaphore, #tpu.memory_space<semaphore_mem>>
      %dma_start3A = tpu.memref_slice %arg4[%arg0, %run_scoped3A_309, %mul3A_308] : memref<2x2x10240xf32, #tpu.memory_space<hbm>> -> memref<1x1x640xf32, #tpu.memory_space<hbm>>
      %dma_start3A_311 = tpu.memref_squeeze %dma_start3A : memref<1x1x640xf32, #tpu.memory_space<hbm>> -> memref<640xf32, #tpu.memory_space<hbm>>
      %dma_start3A_312 = tpu.memref_slice %arg4[%arg0, %run_scoped3A_309, %mul3A_308] : memref<2x2x10240xf32, #tpu.memory_space<hbm>> -> memref<1x1x640xf32, #tpu.memory_space<hbm>>
      %dma_start3A_313 = tpu.memref_squeeze %dma_start3A_312 : memref<1x1x640xf32, #tpu.memory_space<hbm>> -> memref<640xf32, #tpu.memory_space<hbm>>
      tpu.enqueue_dma source(%arg8 : memref<640xf32, #tpu.memory_space<vmem>>) target(%dma_start3A_313 : memref<640xf32, #tpu.memory_space<hbm>>) target_semaphore(%run_scoped3A_310 : memref<!tpu.dma_semaphore, #tpu.memory_space<semaphore_mem>>)
      %dma_wait3A = tpu.memref_slice %arg4[%arg0, %run_scoped3A_309, %mul3A_308] : memref<2x2x10240xf32, #tpu.memory_space<hbm>> -> memref<1x1x640xf32, #tpu.memory_space<hbm>>
      %dma_wait3A_314 = tpu.memref_squeeze %dma_wait3A : memref<1x1x640xf32, #tpu.memory_space<hbm>> -> memref<640xf32, #tpu.memory_space<hbm>>
      %dma_wait3A_315 = tpu.memref_slice %arg4[%arg0, %run_scoped3A_309, %mul3A_308] : memref<2x2x10240xf32, #tpu.memory_space<hbm>> -> memref<1x1x640xf32, #tpu.memory_space<hbm>>
      %dma_wait3A_316 = tpu.memref_squeeze %dma_wait3A_315 : memref<1x1x640xf32, #tpu.memory_space<hbm>> -> memref<640xf32, #tpu.memory_space<hbm>>
      tpu.wait_dma2 semaphore(%run_scoped3A_310 : memref<!tpu.dma_semaphore, #tpu.memory_space<semaphore_mem>>) src(%arg8 : memref<640xf32, #tpu.memory_space<vmem>>) dst(%dma_wait3A_316 : memref<640xf32, #tpu.memory_space<hbm>>)
      tpu.yield
    }) : () -> ()
    return
  }
}

#map = affine_map<(d0, d1) -> (0, 0)>
#map1 = affine_map<(d0, d1) -> (0, 0, 0)>
module attributes {stable_mosaic.version = 14 : i64} {
  func.func @_agg_body(%arg0: i32, %arg1: i32, %arg2: memref<10240x128xf32, #tpu.memory_space<hbm>>, %arg3: memref<2560x128xi32, #tpu.memory_space<hbm>>, %arg4: memref<2560x128xi32, #tpu.memory_space<hbm>>, %arg5: memref<2x10240x128xf32, #tpu.memory_space<hbm>>, %arg6: memref<40x128xi32, #tpu.memory_space<vmem>>, %arg7: memref<40x128xi32, #tpu.memory_space<vmem>>, %arg8: memref<128x128xf32, #tpu.memory_space<vmem>>, %arg9: memref<128x128xf32, #tpu.memory_space<vmem>>, %arg10: memref<!tpu.dma_semaphore, #tpu.memory_space<semaphore_mem>>, %arg11: memref<!tpu.dma_semaphore, #tpu.memory_space<semaphore_mem>>, %arg12: memref<!tpu.dma_semaphore, #tpu.memory_space<semaphore_mem>>, %arg13: memref<!tpu.dma_semaphore, #tpu.memory_space<semaphore_mem>>, %arg14: memref<10240x128xf32, #tpu.memory_space<vmem_shared>>) attributes {dimension_semantics = [#tpu.dimension_semantics<core_parallel>, #tpu.dimension_semantics<subcore_parallel>], iteration_bounds = array<i64: 2, 16>, scalar_prefetch = 0 : i64, scratch_operands = 9 : i64, tpu.core_type = #tpu.core_type<sc_vector_subcore>, window_params = [{transform_indices = #map}, {transform_indices = #map}, {transform_indices = #map}, {transform_indices = #map1}]} {
    %mul3A = arith.constant 2 : i32
    %mul3A_0 = arith.muli %arg1, %mul3A : i32
    %add3A = arith.addi %mul3A_0, %arg0 : i32
    %scan3A = arith.constant 0 : i32
    %scan3A_1 = arith.constant 0 : i32
    %scan3A_2 = arith.constant 128 : i32
    %scan3A_3 = arith.addi %scan3A_1, %scan3A_2 : i32
    %scan3A_4 = arith.constant 1 : i32
    scf.for %scan3A_141 = %scan3A_1 to %scan3A_3 step %scan3A_4  : i32 {
      %broadcast_in_dim3A = arith.constant 0.000000e+00 : f32
      %broadcast_in_dim3A_142 = vector.broadcast %broadcast_in_dim3A : f32 to vector<16xf32>
      %swap3A = arith.index_cast %scan3A_141 : i32 to index
      %swap3A_143 = arith.constant 0 : index
      %swap3A_144 = tpu.vector_load %arg8[%swap3A, %swap3A_143] {strides = array<i32>} : memref<128x128xf32, #tpu.memory_space<vmem>>, vector<1x16xf32>,
      %swap3A_145 = vector.shape_cast %swap3A_144 : vector<1x16xf32> to vector<16xf32>
      %swap3A_146 = vector.shape_cast %broadcast_in_dim3A_142 : vector<16xf32> to vector<1x16xf32>
      tpu.vector_store %arg8[%swap3A, %swap3A_143], %swap3A_146 {strides = array<i32>} : memref<128x128xf32, #tpu.memory_space<vmem>>, vector<1x16xf32>,
      %broadcast_in_dim3A_147 = arith.constant 0.000000e+00 : f32
      %broadcast_in_dim3A_148 = vector.broadcast %broadcast_in_dim3A_147 : f32 to vector<16xf32>
      %swap3A_149 = arith.index_cast %scan3A_141 : i32 to index
      %swap3A_150 = arith.constant 16 : index
      %swap3A_151 = tpu.vector_load %arg8[%swap3A_149, %swap3A_150] {strides = array<i32>} : memref<128x128xf32, #tpu.memory_space<vmem>>, vector<1x16xf32>,
      %swap3A_152 = vector.shape_cast %swap3A_151 : vector<1x16xf32> to vector<16xf32>
      %swap3A_153 = vector.shape_cast %broadcast_in_dim3A_148 : vector<16xf32> to vector<1x16xf32>
      tpu.vector_store %arg8[%swap3A_149, %swap3A_150], %swap3A_153 {strides = array<i32>} : memref<128x128xf32, #tpu.memory_space<vmem>>, vector<1x16xf32>,
      %broadcast_in_dim3A_154 = arith.constant 0.000000e+00 : f32
      %broadcast_in_dim3A_155 = vector.broadcast %broadcast_in_dim3A_154 : f32 to vector<16xf32>
      %swap3A_156 = arith.index_cast %scan3A_141 : i32 to index
      %swap3A_157 = arith.constant 32 : index
      %swap3A_158 = tpu.vector_load %arg8[%swap3A_156, %swap3A_157] {strides = array<i32>} : memref<128x128xf32, #tpu.memory_space<vmem>>, vector<1x16xf32>,
      %swap3A_159 = vector.shape_cast %swap3A_158 : vector<1x16xf32> to vector<16xf32>
      %swap3A_160 = vector.shape_cast %broadcast_in_dim3A_155 : vector<16xf32> to vector<1x16xf32>
      tpu.vector_store %arg8[%swap3A_156, %swap3A_157], %swap3A_160 {strides = array<i32>} : memref<128x128xf32, #tpu.memory_space<vmem>>, vector<1x16xf32>,
      %broadcast_in_dim3A_161 = arith.constant 0.000000e+00 : f32
      %broadcast_in_dim3A_162 = vector.broadcast %broadcast_in_dim3A_161 : f32 to vector<16xf32>
      %swap3A_163 = arith.index_cast %scan3A_141 : i32 to index
      %swap3A_164 = arith.constant 48 : index
      %swap3A_165 = tpu.vector_load %arg8[%swap3A_163, %swap3A_164] {strides = array<i32>} : memref<128x128xf32, #tpu.memory_space<vmem>>, vector<1x16xf32>,
      %swap3A_166 = vector.shape_cast %swap3A_165 : vector<1x16xf32> to vector<16xf32>
      %swap3A_167 = vector.shape_cast %broadcast_in_dim3A_162 : vector<16xf32> to vector<1x16xf32>
      tpu.vector_store %arg8[%swap3A_163, %swap3A_164], %swap3A_167 {strides = array<i32>} : memref<128x128xf32, #tpu.memory_space<vmem>>, vector<1x16xf32>,
      %broadcast_in_dim3A_168 = arith.constant 0.000000e+00 : f32
      %broadcast_in_dim3A_169 = vector.broadcast %broadcast_in_dim3A_168 : f32 to vector<16xf32>
      %swap3A_170 = arith.index_cast %scan3A_141 : i32 to index
      %swap3A_171 = arith.constant 64 : index
      %swap3A_172 = tpu.vector_load %arg8[%swap3A_170, %swap3A_171] {strides = array<i32>} : memref<128x128xf32, #tpu.memory_space<vmem>>, vector<1x16xf32>,
      %swap3A_173 = vector.shape_cast %swap3A_172 : vector<1x16xf32> to vector<16xf32>
      %swap3A_174 = vector.shape_cast %broadcast_in_dim3A_169 : vector<16xf32> to vector<1x16xf32>
      tpu.vector_store %arg8[%swap3A_170, %swap3A_171], %swap3A_174 {strides = array<i32>} : memref<128x128xf32, #tpu.memory_space<vmem>>, vector<1x16xf32>,
      %broadcast_in_dim3A_175 = arith.constant 0.000000e+00 : f32
      %broadcast_in_dim3A_176 = vector.broadcast %broadcast_in_dim3A_175 : f32 to vector<16xf32>
      %swap3A_177 = arith.index_cast %scan3A_141 : i32 to index
      %swap3A_178 = arith.constant 80 : index
      %swap3A_179 = tpu.vector_load %arg8[%swap3A_177, %swap3A_178] {strides = array<i32>} : memref<128x128xf32, #tpu.memory_space<vmem>>, vector<1x16xf32>,
      %swap3A_180 = vector.shape_cast %swap3A_179 : vector<1x16xf32> to vector<16xf32>
      %swap3A_181 = vector.shape_cast %broadcast_in_dim3A_176 : vector<16xf32> to vector<1x16xf32>
      tpu.vector_store %arg8[%swap3A_177, %swap3A_178], %swap3A_181 {strides = array<i32>} : memref<128x128xf32, #tpu.memory_space<vmem>>, vector<1x16xf32>,
      %broadcast_in_dim3A_182 = arith.constant 0.000000e+00 : f32
      %broadcast_in_dim3A_183 = vector.broadcast %broadcast_in_dim3A_182 : f32 to vector<16xf32>
      %swap3A_184 = arith.index_cast %scan3A_141 : i32 to index
      %swap3A_185 = arith.constant 96 : index
      %swap3A_186 = tpu.vector_load %arg8[%swap3A_184, %swap3A_185] {strides = array<i32>} : memref<128x128xf32, #tpu.memory_space<vmem>>, vector<1x16xf32>,
      %swap3A_187 = vector.shape_cast %swap3A_186 : vector<1x16xf32> to vector<16xf32>
      %swap3A_188 = vector.shape_cast %broadcast_in_dim3A_183 : vector<16xf32> to vector<1x16xf32>
      tpu.vector_store %arg8[%swap3A_184, %swap3A_185], %swap3A_188 {strides = array<i32>} : memref<128x128xf32, #tpu.memory_space<vmem>>, vector<1x16xf32>,
      %broadcast_in_dim3A_189 = arith.constant 0.000000e+00 : f32
      %broadcast_in_dim3A_190 = vector.broadcast %broadcast_in_dim3A_189 : f32 to vector<16xf32>
      %swap3A_191 = arith.index_cast %scan3A_141 : i32 to index
      %swap3A_192 = arith.constant 112 : index
      %swap3A_193 = tpu.vector_load %arg8[%swap3A_191, %swap3A_192] {strides = array<i32>} : memref<128x128xf32, #tpu.memory_space<vmem>>, vector<1x16xf32>,
      %swap3A_194 = vector.shape_cast %swap3A_193 : vector<1x16xf32> to vector<16xf32>
      %swap3A_195 = vector.shape_cast %broadcast_in_dim3A_190 : vector<16xf32> to vector<1x16xf32>
      tpu.vector_store %arg8[%swap3A_191, %swap3A_192], %swap3A_195 {strides = array<i32>} : memref<128x128xf32, #tpu.memory_space<vmem>>, vector<1x16xf32>,
    }
    %scan3A_5 = arith.constant 128 : i32
    %mul3A_6 = arith.constant 640 : i32
    %mul3A_7 = arith.muli %arg1, %mul3A_6 : i32
    %add3A_8 = arith.constant 0 : i32
    %add3A_9 = arith.addi %mul3A_7, %add3A_8 : i32
    "tpu.region"() ({
      %run_scoped3A = tpu.sem_alloc : memref<!tpu.dma_semaphore, #tpu.memory_space<semaphore_mem>>
      %dma_start3A_141 = arith.constant 0 : i32
      %dma_start3A_142 = tpu.memref_slice %arg14[%add3A_9, %dma_start3A_141] : memref<10240x128xf32, #tpu.memory_space<vmem_shared>> -> memref<128x128xf32, #tpu.memory_space<vmem_shared>>
      %dma_start3A_143 = arith.constant 0 : i32
      %dma_start3A_144 = tpu.memref_slice %arg14[%add3A_9, %dma_start3A_143] : memref<10240x128xf32, #tpu.memory_space<vmem_shared>> -> memref<128x128xf32, #tpu.memory_space<vmem_shared>>
      tpu.enqueue_dma source(%arg8 : memref<128x128xf32, #tpu.memory_space<vmem>>) target(%dma_start3A_144 : memref<128x128xf32, #tpu.memory_space<vmem_shared>>) target_semaphore(%run_scoped3A : memref<!tpu.dma_semaphore, #tpu.memory_space<semaphore_mem>>)
      %dma_wait3A_145 = arith.constant 0 : i32
      %dma_wait3A_146 = tpu.memref_slice %arg14[%add3A_9, %dma_wait3A_145] : memref<10240x128xf32, #tpu.memory_space<vmem_shared>> -> memref<128x128xf32, #tpu.memory_space<vmem_shared>>
      %dma_wait3A_147 = arith.constant 0 : i32
      %dma_wait3A_148 = tpu.memref_slice %arg14[%add3A_9, %dma_wait3A_147] : memref<10240x128xf32, #tpu.memory_space<vmem_shared>> -> memref<128x128xf32, #tpu.memory_space<vmem_shared>>
      tpu.wait_dma2 semaphore(%run_scoped3A : memref<!tpu.dma_semaphore, #tpu.memory_space<semaphore_mem>>) src(%arg8 : memref<128x128xf32, #tpu.memory_space<vmem>>) dst(%dma_wait3A_148 : memref<128x128xf32, #tpu.memory_space<vmem_shared>>)
      tpu.yield
    }) : () -> ()
    %mul3A_10 = arith.constant 640 : i32
    %mul3A_11 = arith.muli %arg1, %mul3A_10 : i32
    %add3A_12 = arith.constant 128 : i32
    %add3A_13 = arith.addi %mul3A_11, %add3A_12 : i32
    "tpu.region"() ({
      %run_scoped3A = tpu.sem_alloc : memref<!tpu.dma_semaphore, #tpu.memory_space<semaphore_mem>>
      %dma_start3A_141 = arith.constant 0 : i32
      %dma_start3A_142 = tpu.memref_slice %arg14[%add3A_13, %dma_start3A_141] : memref<10240x128xf32, #tpu.memory_space<vmem_shared>> -> memref<128x128xf32, #tpu.memory_space<vmem_shared>>
      %dma_start3A_143 = arith.constant 0 : i32
      %dma_start3A_144 = tpu.memref_slice %arg14[%add3A_13, %dma_start3A_143] : memref<10240x128xf32, #tpu.memory_space<vmem_shared>> -> memref<128x128xf32, #tpu.memory_space<vmem_shared>>
      tpu.enqueue_dma source(%arg8 : memref<128x128xf32, #tpu.memory_space<vmem>>) target(%dma_start3A_144 : memref<128x128xf32, #tpu.memory_space<vmem_shared>>) target_semaphore(%run_scoped3A : memref<!tpu.dma_semaphore, #tpu.memory_space<semaphore_mem>>)
      %dma_wait3A_145 = arith.constant 0 : i32
      %dma_wait3A_146 = tpu.memref_slice %arg14[%add3A_13, %dma_wait3A_145] : memref<10240x128xf32, #tpu.memory_space<vmem_shared>> -> memref<128x128xf32, #tpu.memory_space<vmem_shared>>
      %dma_wait3A_147 = arith.constant 0 : i32
      %dma_wait3A_148 = tpu.memref_slice %arg14[%add3A_13, %dma_wait3A_147] : memref<10240x128xf32, #tpu.memory_space<vmem_shared>> -> memref<128x128xf32, #tpu.memory_space<vmem_shared>>
      tpu.wait_dma2 semaphore(%run_scoped3A : memref<!tpu.dma_semaphore, #tpu.memory_space<semaphore_mem>>) src(%arg8 : memref<128x128xf32, #tpu.memory_space<vmem>>) dst(%dma_wait3A_148 : memref<128x128xf32, #tpu.memory_space<vmem_shared>>)
      tpu.yield
    }) : () -> ()
    %mul3A_14 = arith.constant 640 : i32
    %mul3A_15 = arith.muli %arg1, %mul3A_14 : i32
    %add3A_16 = arith.constant 256 : i32
    %add3A_17 = arith.addi %mul3A_15, %add3A_16 : i32
    "tpu.region"() ({
      %run_scoped3A = tpu.sem_alloc : memref<!tpu.dma_semaphore, #tpu.memory_space<semaphore_mem>>
      %dma_start3A_141 = arith.constant 0 : i32
      %dma_start3A_142 = tpu.memref_slice %arg14[%add3A_17, %dma_start3A_141] : memref<10240x128xf32, #tpu.memory_space<vmem_shared>> -> memref<128x128xf32, #tpu.memory_space<vmem_shared>>
      %dma_start3A_143 = arith.constant 0 : i32
      %dma_start3A_144 = tpu.memref_slice %arg14[%add3A_17, %dma_start3A_143] : memref<10240x128xf32, #tpu.memory_space<vmem_shared>> -> memref<128x128xf32, #tpu.memory_space<vmem_shared>>
      tpu.enqueue_dma source(%arg8 : memref<128x128xf32, #tpu.memory_space<vmem>>) target(%dma_start3A_144 : memref<128x128xf32, #tpu.memory_space<vmem_shared>>) target_semaphore(%run_scoped3A : memref<!tpu.dma_semaphore, #tpu.memory_space<semaphore_mem>>)
      %dma_wait3A_145 = arith.constant 0 : i32
      %dma_wait3A_146 = tpu.memref_slice %arg14[%add3A_17, %dma_wait3A_145] : memref<10240x128xf32, #tpu.memory_space<vmem_shared>> -> memref<128x128xf32, #tpu.memory_space<vmem_shared>>
      %dma_wait3A_147 = arith.constant 0 : i32
      %dma_wait3A_148 = tpu.memref_slice %arg14[%add3A_17, %dma_wait3A_147] : memref<10240x128xf32, #tpu.memory_space<vmem_shared>> -> memref<128x128xf32, #tpu.memory_space<vmem_shared>>
      tpu.wait_dma2 semaphore(%run_scoped3A : memref<!tpu.dma_semaphore, #tpu.memory_space<semaphore_mem>>) src(%arg8 : memref<128x128xf32, #tpu.memory_space<vmem>>) dst(%dma_wait3A_148 : memref<128x128xf32, #tpu.memory_space<vmem_shared>>)
      tpu.yield
    }) : () -> ()
    %mul3A_18 = arith.constant 640 : i32
    %mul3A_19 = arith.muli %arg1, %mul3A_18 : i32
    %add3A_20 = arith.constant 384 : i32
    %add3A_21 = arith.addi %mul3A_19, %add3A_20 : i32
    "tpu.region"() ({
      %run_scoped3A = tpu.sem_alloc : memref<!tpu.dma_semaphore, #tpu.memory_space<semaphore_mem>>
      %dma_start3A_141 = arith.constant 0 : i32
      %dma_start3A_142 = tpu.memref_slice %arg14[%add3A_21, %dma_start3A_141] : memref<10240x128xf32, #tpu.memory_space<vmem_shared>> -> memref<128x128xf32, #tpu.memory_space<vmem_shared>>
      %dma_start3A_143 = arith.constant 0 : i32
      %dma_start3A_144 = tpu.memref_slice %arg14[%add3A_21, %dma_start3A_143] : memref<10240x128xf32, #tpu.memory_space<vmem_shared>> -> memref<128x128xf32, #tpu.memory_space<vmem_shared>>
      tpu.enqueue_dma source(%arg8 : memref<128x128xf32, #tpu.memory_space<vmem>>) target(%dma_start3A_144 : memref<128x128xf32, #tpu.memory_space<vmem_shared>>) target_semaphore(%run_scoped3A : memref<!tpu.dma_semaphore, #tpu.memory_space<semaphore_mem>>)
      %dma_wait3A_145 = arith.constant 0 : i32
      %dma_wait3A_146 = tpu.memref_slice %arg14[%add3A_21, %dma_wait3A_145] : memref<10240x128xf32, #tpu.memory_space<vmem_shared>> -> memref<128x128xf32, #tpu.memory_space<vmem_shared>>
      %dma_wait3A_147 = arith.constant 0 : i32
      %dma_wait3A_148 = tpu.memref_slice %arg14[%add3A_21, %dma_wait3A_147] : memref<10240x128xf32, #tpu.memory_space<vmem_shared>> -> memref<128x128xf32, #tpu.memory_space<vmem_shared>>
      tpu.wait_dma2 semaphore(%run_scoped3A : memref<!tpu.dma_semaphore, #tpu.memory_space<semaphore_mem>>) src(%arg8 : memref<128x128xf32, #tpu.memory_space<vmem>>) dst(%dma_wait3A_148 : memref<128x128xf32, #tpu.memory_space<vmem_shared>>)
      tpu.yield
    }) : () -> ()
    %mul3A_22 = arith.constant 640 : i32
    %mul3A_23 = arith.muli %arg1, %mul3A_22 : i32
    %add3A_24 = arith.constant 512 : i32
    %add3A_25 = arith.addi %mul3A_23, %add3A_24 : i32
    "tpu.region"() ({
      %run_scoped3A = tpu.sem_alloc : memref<!tpu.dma_semaphore, #tpu.memory_space<semaphore_mem>>
      %dma_start3A_141 = arith.constant 0 : i32
      %dma_start3A_142 = tpu.memref_slice %arg14[%add3A_25, %dma_start3A_141] : memref<10240x128xf32, #tpu.memory_space<vmem_shared>> -> memref<128x128xf32, #tpu.memory_space<vmem_shared>>
      %dma_start3A_143 = arith.constant 0 : i32
      %dma_start3A_144 = tpu.memref_slice %arg14[%add3A_25, %dma_start3A_143] : memref<10240x128xf32, #tpu.memory_space<vmem_shared>> -> memref<128x128xf32, #tpu.memory_space<vmem_shared>>
      tpu.enqueue_dma source(%arg8 : memref<128x128xf32, #tpu.memory_space<vmem>>) target(%dma_start3A_144 : memref<128x128xf32, #tpu.memory_space<vmem_shared>>) target_semaphore(%run_scoped3A : memref<!tpu.dma_semaphore, #tpu.memory_space<semaphore_mem>>)
      %dma_wait3A_145 = arith.constant 0 : i32
      %dma_wait3A_146 = tpu.memref_slice %arg14[%add3A_25, %dma_wait3A_145] : memref<10240x128xf32, #tpu.memory_space<vmem_shared>> -> memref<128x128xf32, #tpu.memory_space<vmem_shared>>
      %dma_wait3A_147 = arith.constant 0 : i32
      %dma_wait3A_148 = tpu.memref_slice %arg14[%add3A_25, %dma_wait3A_147] : memref<10240x128xf32, #tpu.memory_space<vmem_shared>> -> memref<128x128xf32, #tpu.memory_space<vmem_shared>>
      tpu.wait_dma2 semaphore(%run_scoped3A : memref<!tpu.dma_semaphore, #tpu.memory_space<semaphore_mem>>) src(%arg8 : memref<128x128xf32, #tpu.memory_space<vmem>>) dst(%dma_wait3A_148 : memref<128x128xf32, #tpu.memory_space<vmem_shared>>)
      tpu.yield
    }) : () -> ()
    %barrier3A = arith.constant 0 : index
    tpu.barrier barrier_id(%barrier3A)
    %mul3A_26 = arith.constant 80 : i32
    %mul3A_27 = arith.muli %add3A, %mul3A_26 : i32
    %add3A_28 = arith.constant 0 : i32
    %add3A_29 = arith.addi %mul3A_27, %add3A_28 : i32
    "tpu.region"() ({
      %run_scoped3A = tpu.sem_alloc : memref<!tpu.dma_semaphore, #tpu.memory_space<semaphore_mem>>
      %dma_start3A_141 = arith.constant 0 : i32
      %dma_start3A_142 = tpu.memref_slice %arg3[%add3A_29, %dma_start3A_141] : memref<2560x128xi32, #tpu.memory_space<hbm>> -> memref<40x128xi32, #tpu.memory_space<hbm>>
      %dma_start3A_143 = arith.constant 0 : i32
      %dma_start3A_144 = tpu.memref_slice %arg3[%add3A_29, %dma_start3A_143] : memref<2560x128xi32, #tpu.memory_space<hbm>> -> memref<40x128xi32, #tpu.memory_space<hbm>>
      tpu.enqueue_dma source(%dma_start3A_144 : memref<40x128xi32, #tpu.memory_space<hbm>>) target(%arg6 : memref<40x128xi32, #tpu.memory_space<vmem>>) target_semaphore(%run_scoped3A : memref<!tpu.dma_semaphore, #tpu.memory_space<semaphore_mem>>)
      %dma_wait3A_145 = arith.constant 0 : i32
      %dma_wait3A_146 = tpu.memref_slice %arg3[%add3A_29, %dma_wait3A_145] : memref<2560x128xi32, #tpu.memory_space<hbm>> -> memref<40x128xi32, #tpu.memory_space<hbm>>
      %dma_wait3A_147 = arith.constant 0 : i32
      %dma_wait3A_148 = tpu.memref_slice %arg3[%add3A_29, %dma_wait3A_147] : memref<2560x128xi32, #tpu.memory_space<hbm>> -> memref<40x128xi32, #tpu.memory_space<hbm>>
      tpu.wait_dma2 semaphore(%run_scoped3A : memref<!tpu.dma_semaphore, #tpu.memory_space<semaphore_mem>>) src(%dma_wait3A_148 : memref<40x128xi32, #tpu.memory_space<hbm>>) dst(%arg6 : memref<40x128xi32, #tpu.memory_space<vmem>>)
      tpu.yield
    }) : () -> ()
    "tpu.region"() ({
      %run_scoped3A = tpu.sem_alloc : memref<!tpu.dma_semaphore, #tpu.memory_space<semaphore_mem>>
      %dma_start3A_141 = arith.constant 0 : i32
      %dma_start3A_142 = tpu.memref_slice %arg4[%add3A_29, %dma_start3A_141] : memref<2560x128xi32, #tpu.memory_space<hbm>> -> memref<40x128xi32, #tpu.memory_space<hbm>>
      %dma_start3A_143 = arith.constant 0 : i32
      %dma_start3A_144 = tpu.memref_slice %arg4[%add3A_29, %dma_start3A_143] : memref<2560x128xi32, #tpu.memory_space<hbm>> -> memref<40x128xi32, #tpu.memory_space<hbm>>
      tpu.enqueue_dma source(%dma_start3A_144 : memref<40x128xi32, #tpu.memory_space<hbm>>) target(%arg7 : memref<40x128xi32, #tpu.memory_space<vmem>>) target_semaphore(%run_scoped3A : memref<!tpu.dma_semaphore, #tpu.memory_space<semaphore_mem>>)
      %dma_wait3A_145 = arith.constant 0 : i32
      %dma_wait3A_146 = tpu.memref_slice %arg4[%add3A_29, %dma_wait3A_145] : memref<2560x128xi32, #tpu.memory_space<hbm>> -> memref<40x128xi32, #tpu.memory_space<hbm>>
      %dma_wait3A_147 = arith.constant 0 : i32
      %dma_wait3A_148 = tpu.memref_slice %arg4[%add3A_29, %dma_wait3A_147] : memref<2560x128xi32, #tpu.memory_space<hbm>> -> memref<40x128xi32, #tpu.memory_space<hbm>>
      tpu.wait_dma2 semaphore(%run_scoped3A : memref<!tpu.dma_semaphore, #tpu.memory_space<semaphore_mem>>) src(%dma_wait3A_148 : memref<40x128xi32, #tpu.memory_space<hbm>>) dst(%arg7 : memref<40x128xi32, #tpu.memory_space<vmem>>)
      tpu.yield
    }) : () -> ()
    %dma_start3A = arith.constant 0 : i32
    %dma_start3A_30 = arith.constant 0 : i32
    %dma_start3A_31 = tpu.memref_slice %arg6[%dma_start3A, %dma_start3A_30] : memref<40x128xi32, #tpu.memory_space<vmem>> -> memref<1x128xi32, #tpu.memory_space<vmem>>
    %dma_start3A_32 = tpu.memref_squeeze %dma_start3A_31 : memref<1x128xi32, #tpu.memory_space<vmem>> -> memref<128xi32, #tpu.memory_space<vmem>>
    %dma_start3A_33 = arith.constant 0 : i32
    %dma_start3A_34 = arith.constant 0 : i32
    %dma_start3A_35 = tpu.memref_slice %arg2[%dma_start3A_33, %dma_start3A_34] : memref<10240x128xf32, #tpu.memory_space<hbm>> -> memref<10240x128xf32, #tpu.memory_space<hbm>>
    tpu.enqueue_indirect_dma source(%dma_start3A_35 : memref<10240x128xf32, #tpu.memory_space<hbm>>) target(%arg8 : memref<128x128xf32, #tpu.memory_space<vmem>>) offsets(%dma_start3A_32 : memref<128xi32, #tpu.memory_space<vmem>>) semaphore(%arg10 : memref<!tpu.dma_semaphore, #tpu.memory_space<semaphore_mem>>)
    %dma_start3A_36 = arith.constant 1 : i32
    %dma_start3A_37 = arith.constant 0 : i32
    %dma_start3A_38 = tpu.memref_slice %arg6[%dma_start3A_36, %dma_start3A_37] : memref<40x128xi32, #tpu.memory_space<vmem>> -> memref<1x128xi32, #tpu.memory_space<vmem>>
    %dma_start3A_39 = tpu.memref_squeeze %dma_start3A_38 : memref<1x128xi32, #tpu.memory_space<vmem>> -> memref<128xi32, #tpu.memory_space<vmem>>
    %dma_start3A_40 = arith.constant 0 : i32
    %dma_start3A_41 = arith.constant 0 : i32
    %dma_start3A_42 = tpu.memref_slice %arg2[%dma_start3A_40, %dma_start3A_41] : memref<10240x128xf32, #tpu.memory_space<hbm>> -> memref<10240x128xf32, #tpu.memory_space<hbm>>
    tpu.enqueue_indirect_dma source(%dma_start3A_42 : memref<10240x128xf32, #tpu.memory_space<hbm>>) target(%arg9 : memref<128x128xf32, #tpu.memory_space<vmem>>) offsets(%dma_start3A_39 : memref<128xi32, #tpu.memory_space<vmem>>) semaphore(%arg11 : memref<!tpu.dma_semaphore, #tpu.memory_space<semaphore_mem>>)
    %scan3A_43 = arith.constant 0 : i32
    %scan3A_44 = arith.constant 0 : i32
    %scan3A_45 = arith.constant 20 : i32
    %scan3A_46 = arith.addi %scan3A_44, %scan3A_45 : i32
    %scan3A_47 = arith.constant 1 : i32
    scf.for %scan3A_141 = %scan3A_44 to %scan3A_46 step %scan3A_47  : i32 {
      %mul3A_142 = arith.constant 2 : i32
      %mul3A_143 = arith.muli %scan3A_141, %mul3A_142 : i32
      %dma_wait3A_144 = arith.constant 0 : i32
      %dma_wait3A_145 = tpu.memref_slice %arg6[%mul3A_143, %dma_wait3A_144] : memref<40x128xi32, #tpu.memory_space<vmem>> -> memref<1x128xi32, #tpu.memory_space<vmem>>
      %dma_wait3A_146 = tpu.memref_squeeze %dma_wait3A_145 : memref<1x128xi32, #tpu.memory_space<vmem>> -> memref<128xi32, #tpu.memory_space<vmem>>
      %dma_wait3A_147 = arith.constant 0 : i32
      %dma_wait3A_148 = arith.constant 0 : i32
      %dma_wait3A_149 = tpu.memref_slice %arg2[%dma_wait3A_147, %dma_wait3A_148] : memref<10240x128xf32, #tpu.memory_space<hbm>> -> memref<10240x128xf32, #tpu.memory_space<hbm>>
      tpu.wait_indirect_dma semaphore(%arg10 : memref<!tpu.dma_semaphore, #tpu.memory_space<semaphore_mem>>) src(%dma_wait3A_149 : memref<10240x128xf32, #tpu.memory_space<hbm>>) dst(%arg8 : memref<128x128xf32, #tpu.memory_space<vmem>>)
      %dma_start3A_150 = arith.constant 0 : i32
      %dma_start3A_151 = tpu.memref_slice %arg7[%mul3A_143, %dma_start3A_150] : memref<40x128xi32, #tpu.memory_space<vmem>> -> memref<1x128xi32, #tpu.memory_space<vmem>>
      %dma_start3A_152 = tpu.memref_squeeze %dma_start3A_151 : memref<1x128xi32, #tpu.memory_space<vmem>> -> memref<128xi32, #tpu.memory_space<vmem>>
      %dma_start3A_153 = arith.constant 0 : i32
      %dma_start3A_154 = arith.constant 0 : i32
      %dma_start3A_155 = tpu.memref_slice %arg14[%dma_start3A_153, %dma_start3A_154] : memref<10240x128xf32, #tpu.memory_space<vmem_shared>> -> memref<10240x128xf32, #tpu.memory_space<vmem_shared>>
      tpu.enqueue_indirect_dma source(%arg8 : memref<128x128xf32, #tpu.memory_space<vmem>>) target(%dma_start3A_155 : memref<10240x128xf32, #tpu.memory_space<vmem_shared>>) offsets(%dma_start3A_152 : memref<128xi32, #tpu.memory_space<vmem>>) semaphore(%arg12 : memref<!tpu.dma_semaphore, #tpu.memory_space<semaphore_mem>>) {add = true}
      %add3A_156 = arith.constant 1 : i32
      %add3A_157 = arith.addi %mul3A_143, %add3A_156 : i32
      %dma_wait3A_158 = arith.constant 0 : i32
      %dma_wait3A_159 = tpu.memref_slice %arg6[%add3A_157, %dma_wait3A_158] : memref<40x128xi32, #tpu.memory_space<vmem>> -> memref<1x128xi32, #tpu.memory_space<vmem>>
      %dma_wait3A_160 = tpu.memref_squeeze %dma_wait3A_159 : memref<1x128xi32, #tpu.memory_space<vmem>> -> memref<128xi32, #tpu.memory_space<vmem>>
      %dma_wait3A_161 = arith.constant 0 : i32
      %dma_wait3A_162 = arith.constant 0 : i32
      %dma_wait3A_163 = tpu.memref_slice %arg2[%dma_wait3A_161, %dma_wait3A_162] : memref<10240x128xf32, #tpu.memory_space<hbm>> -> memref<10240x128xf32, #tpu.memory_space<hbm>>
      tpu.wait_indirect_dma semaphore(%arg11 : memref<!tpu.dma_semaphore, #tpu.memory_space<semaphore_mem>>) src(%dma_wait3A_163 : memref<10240x128xf32, #tpu.memory_space<hbm>>) dst(%arg9 : memref<128x128xf32, #tpu.memory_space<vmem>>)
      %add3A_164 = arith.constant 1 : i32
      %add3A_165 = arith.addi %mul3A_143, %add3A_164 : i32
      %dma_start3A_166 = arith.constant 0 : i32
      %dma_start3A_167 = tpu.memref_slice %arg7[%add3A_165, %dma_start3A_166] : memref<40x128xi32, #tpu.memory_space<vmem>> -> memref<1x128xi32, #tpu.memory_space<vmem>>
      %dma_start3A_168 = tpu.memref_squeeze %dma_start3A_167 : memref<1x128xi32, #tpu.memory_space<vmem>> -> memref<128xi32, #tpu.memory_space<vmem>>
      %dma_start3A_169 = arith.constant 0 : i32
      %dma_start3A_170 = arith.constant 0 : i32
      %dma_start3A_171 = tpu.memref_slice %arg14[%dma_start3A_169, %dma_start3A_170] : memref<10240x128xf32, #tpu.memory_space<vmem_shared>> -> memref<10240x128xf32, #tpu.memory_space<vmem_shared>>
      tpu.enqueue_indirect_dma source(%arg9 : memref<128x128xf32, #tpu.memory_space<vmem>>) target(%dma_start3A_171 : memref<10240x128xf32, #tpu.memory_space<vmem_shared>>) offsets(%dma_start3A_168 : memref<128xi32, #tpu.memory_space<vmem>>) semaphore(%arg13 : memref<!tpu.dma_semaphore, #tpu.memory_space<semaphore_mem>>) {add = true}
      %add3A_172 = arith.constant 2 : i32
      %add3A_173 = arith.addi %mul3A_143, %add3A_172 : i32
      %min3A = arith.constant 39 : i32
      %min3A_174 = arith.minsi %add3A_173, %min3A : i32
      %add3A_175 = arith.constant 3 : i32
      %add3A_176 = arith.addi %mul3A_143, %add3A_175 : i32
      %min3A_177 = arith.constant 39 : i32
      %min3A_178 = arith.minsi %add3A_176, %min3A_177 : i32
      %dma_wait3A_179 = arith.constant 0 : i32
      %dma_wait3A_180 = tpu.memref_slice %arg7[%mul3A_143, %dma_wait3A_179] : memref<40x128xi32, #tpu.memory_space<vmem>> -> memref<1x128xi32, #tpu.memory_space<vmem>>
      %dma_wait3A_181 = tpu.memref_squeeze %dma_wait3A_180 : memref<1x128xi32, #tpu.memory_space<vmem>> -> memref<128xi32, #tpu.memory_space<vmem>>
      %dma_wait3A_182 = arith.constant 0 : i32
      %dma_wait3A_183 = arith.constant 0 : i32
      %dma_wait3A_184 = tpu.memref_slice %arg14[%dma_wait3A_182, %dma_wait3A_183] : memref<10240x128xf32, #tpu.memory_space<vmem_shared>> -> memref<10240x128xf32, #tpu.memory_space<vmem_shared>>
      tpu.wait_indirect_dma semaphore(%arg12 : memref<!tpu.dma_semaphore, #tpu.memory_space<semaphore_mem>>) src(%arg8 : memref<128x128xf32, #tpu.memory_space<vmem>>) dst(%dma_wait3A_184 : memref<10240x128xf32, #tpu.memory_space<vmem_shared>>)
      %dma_start3A_185 = arith.constant 0 : i32
      %dma_start3A_186 = tpu.memref_slice %arg6[%min3A_174, %dma_start3A_185] : memref<40x128xi32, #tpu.memory_space<vmem>> -> memref<1x128xi32, #tpu.memory_space<vmem>>
      %dma_start3A_187 = tpu.memref_squeeze %dma_start3A_186 : memref<1x128xi32, #tpu.memory_space<vmem>> -> memref<128xi32, #tpu.memory_space<vmem>>
      %dma_start3A_188 = arith.constant 0 : i32
      %dma_start3A_189 = arith.constant 0 : i32
      %dma_start3A_190 = tpu.memref_slice %arg2[%dma_start3A_188, %dma_start3A_189] : memref<10240x128xf32, #tpu.memory_space<hbm>> -> memref<10240x128xf32, #tpu.memory_space<hbm>>
      tpu.enqueue_indirect_dma source(%dma_start3A_190 : memref<10240x128xf32, #tpu.memory_space<hbm>>) target(%arg8 : memref<128x128xf32, #tpu.memory_space<vmem>>) offsets(%dma_start3A_187 : memref<128xi32, #tpu.memory_space<vmem>>) semaphore(%arg10 : memref<!tpu.dma_semaphore, #tpu.memory_space<semaphore_mem>>)
      %add3A_191 = arith.constant 1 : i32
      %add3A_192 = arith.addi %mul3A_143, %add3A_191 : i32
      %dma_wait3A_193 = arith.constant 0 : i32
      %dma_wait3A_194 = tpu.memref_slice %arg7[%add3A_192, %dma_wait3A_193] : memref<40x128xi32, #tpu.memory_space<vmem>> -> memref<1x128xi32, #tpu.memory_space<vmem>>
      %dma_wait3A_195 = tpu.memref_squeeze %dma_wait3A_194 : memref<1x128xi32, #tpu.memory_space<vmem>> -> memref<128xi32, #tpu.memory_space<vmem>>
      %dma_wait3A_196 = arith.constant 0 : i32
      %dma_wait3A_197 = arith.constant 0 : i32
      %dma_wait3A_198 = tpu.memref_slice %arg14[%dma_wait3A_196, %dma_wait3A_197] : memref<10240x128xf32, #tpu.memory_space<vmem_shared>> -> memref<10240x128xf32, #tpu.memory_space<vmem_shared>>
      tpu.wait_indirect_dma semaphore(%arg13 : memref<!tpu.dma_semaphore, #tpu.memory_space<semaphore_mem>>) src(%arg9 : memref<128x128xf32, #tpu.memory_space<vmem>>) dst(%dma_wait3A_198 : memref<10240x128xf32, #tpu.memory_space<vmem_shared>>)
      %dma_start3A_199 = arith.constant 0 : i32
      %dma_start3A_200 = tpu.memref_slice %arg6[%min3A_178, %dma_start3A_199] : memref<40x128xi32, #tpu.memory_space<vmem>> -> memref<1x128xi32, #tpu.memory_space<vmem>>
      %dma_start3A_201 = tpu.memref_squeeze %dma_start3A_200 : memref<1x128xi32, #tpu.memory_space<vmem>> -> memref<128xi32, #tpu.memory_space<vmem>>
      %dma_start3A_202 = arith.constant 0 : i32
      %dma_start3A_203 = arith.constant 0 : i32
      %dma_start3A_204 = tpu.memref_slice %arg2[%dma_start3A_202, %dma_start3A_203] : memref<10240x128xf32, #tpu.memory_space<hbm>> -> memref<10240x128xf32, #tpu.memory_space<hbm>>
      tpu.enqueue_indirect_dma source(%dma_start3A_204 : memref<10240x128xf32, #tpu.memory_space<hbm>>) target(%arg9 : memref<128x128xf32, #tpu.memory_space<vmem>>) offsets(%dma_start3A_201 : memref<128xi32, #tpu.memory_space<vmem>>) semaphore(%arg11 : memref<!tpu.dma_semaphore, #tpu.memory_space<semaphore_mem>>)
    }
    %scan3A_48 = arith.constant 20 : i32
    %dma_wait3A = arith.constant 39 : i32
    %dma_wait3A_49 = arith.constant 0 : i32
    %dma_wait3A_50 = tpu.memref_slice %arg6[%dma_wait3A, %dma_wait3A_49] : memref<40x128xi32, #tpu.memory_space<vmem>> -> memref<1x128xi32, #tpu.memory_space<vmem>>
    %dma_wait3A_51 = tpu.memref_squeeze %dma_wait3A_50 : memref<1x128xi32, #tpu.memory_space<vmem>> -> memref<128xi32, #tpu.memory_space<vmem>>
    %dma_wait3A_52 = arith.constant 0 : i32
    %dma_wait3A_53 = arith.constant 0 : i32
    %dma_wait3A_54 = tpu.memref_slice %arg2[%dma_wait3A_52, %dma_wait3A_53] : memref<10240x128xf32, #tpu.memory_space<hbm>> -> memref<10240x128xf32, #tpu.memory_space<hbm>>
    tpu.wait_indirect_dma semaphore(%arg10 : memref<!tpu.dma_semaphore, #tpu.memory_space<semaphore_mem>>) src(%dma_wait3A_54 : memref<10240x128xf32, #tpu.memory_space<hbm>>) dst(%arg8 : memref<128x128xf32, #tpu.memory_space<vmem>>)
    %dma_wait3A_55 = arith.constant 39 : i32
    %dma_wait3A_56 = arith.constant 0 : i32
    %dma_wait3A_57 = tpu.memref_slice %arg6[%dma_wait3A_55, %dma_wait3A_56] : memref<40x128xi32, #tpu.memory_space<vmem>> -> memref<1x128xi32, #tpu.memory_space<vmem>>
    %dma_wait3A_58 = tpu.memref_squeeze %dma_wait3A_57 : memref<1x128xi32, #tpu.memory_space<vmem>> -> memref<128xi32, #tpu.memory_space<vmem>>
    %dma_wait3A_59 = arith.constant 0 : i32
    %dma_wait3A_60 = arith.constant 0 : i32
    %dma_wait3A_61 = tpu.memref_slice %arg2[%dma_wait3A_59, %dma_wait3A_60] : memref<10240x128xf32, #tpu.memory_space<hbm>> -> memref<10240x128xf32, #tpu.memory_space<hbm>>
    tpu.wait_indirect_dma semaphore(%arg11 : memref<!tpu.dma_semaphore, #tpu.memory_space<semaphore_mem>>) src(%dma_wait3A_61 : memref<10240x128xf32, #tpu.memory_space<hbm>>) dst(%arg9 : memref<128x128xf32, #tpu.memory_space<vmem>>)
    %mul3A_62 = arith.constant 80 : i32
    %mul3A_63 = arith.muli %add3A, %mul3A_62 : i32
    %add3A_64 = arith.constant 40 : i32
    %add3A_65 = arith.addi %mul3A_63, %add3A_64 : i32
    "tpu.region"() ({
      %run_scoped3A = tpu.sem_alloc : memref<!tpu.dma_semaphore, #tpu.memory_space<semaphore_mem>>
      %dma_start3A_141 = arith.constant 0 : i32
      %dma_start3A_142 = tpu.memref_slice %arg3[%add3A_65, %dma_start3A_141] : memref<2560x128xi32, #tpu.memory_space<hbm>> -> memref<40x128xi32, #tpu.memory_space<hbm>>
      %dma_start3A_143 = arith.constant 0 : i32
      %dma_start3A_144 = tpu.memref_slice %arg3[%add3A_65, %dma_start3A_143] : memref<2560x128xi32, #tpu.memory_space<hbm>> -> memref<40x128xi32, #tpu.memory_space<hbm>>
      tpu.enqueue_dma source(%dma_start3A_144 : memref<40x128xi32, #tpu.memory_space<hbm>>) target(%arg6 : memref<40x128xi32, #tpu.memory_space<vmem>>) target_semaphore(%run_scoped3A : memref<!tpu.dma_semaphore, #tpu.memory_space<semaphore_mem>>)
      %dma_wait3A_145 = arith.constant 0 : i32
      %dma_wait3A_146 = tpu.memref_slice %arg3[%add3A_65, %dma_wait3A_145] : memref<2560x128xi32, #tpu.memory_space<hbm>> -> memref<40x128xi32, #tpu.memory_space<hbm>>
      %dma_wait3A_147 = arith.constant 0 : i32
      %dma_wait3A_148 = tpu.memref_slice %arg3[%add3A_65, %dma_wait3A_147] : memref<2560x128xi32, #tpu.memory_space<hbm>> -> memref<40x128xi32, #tpu.memory_space<hbm>>
      tpu.wait_dma2 semaphore(%run_scoped3A : memref<!tpu.dma_semaphore, #tpu.memory_space<semaphore_mem>>) src(%dma_wait3A_148 : memref<40x128xi32, #tpu.memory_space<hbm>>) dst(%arg6 : memref<40x128xi32, #tpu.memory_space<vmem>>)
      tpu.yield
    }) : () -> ()
    "tpu.region"() ({
      %run_scoped3A = tpu.sem_alloc : memref<!tpu.dma_semaphore, #tpu.memory_space<semaphore_mem>>
      %dma_start3A_141 = arith.constant 0 : i32
      %dma_start3A_142 = tpu.memref_slice %arg4[%add3A_65, %dma_start3A_141] : memref<2560x128xi32, #tpu.memory_space<hbm>> -> memref<40x128xi32, #tpu.memory_space<hbm>>
      %dma_start3A_143 = arith.constant 0 : i32
      %dma_start3A_144 = tpu.memref_slice %arg4[%add3A_65, %dma_start3A_143] : memref<2560x128xi32, #tpu.memory_space<hbm>> -> memref<40x128xi32, #tpu.memory_space<hbm>>
      tpu.enqueue_dma source(%dma_start3A_144 : memref<40x128xi32, #tpu.memory_space<hbm>>) target(%arg7 : memref<40x128xi32, #tpu.memory_space<vmem>>) target_semaphore(%run_scoped3A : memref<!tpu.dma_semaphore, #tpu.memory_space<semaphore_mem>>)
      %dma_wait3A_145 = arith.constant 0 : i32
      %dma_wait3A_146 = tpu.memref_slice %arg4[%add3A_65, %dma_wait3A_145] : memref<2560x128xi32, #tpu.memory_space<hbm>> -> memref<40x128xi32, #tpu.memory_space<hbm>>
      %dma_wait3A_147 = arith.constant 0 : i32
      %dma_wait3A_148 = tpu.memref_slice %arg4[%add3A_65, %dma_wait3A_147] : memref<2560x128xi32, #tpu.memory_space<hbm>> -> memref<40x128xi32, #tpu.memory_space<hbm>>
      tpu.wait_dma2 semaphore(%run_scoped3A : memref<!tpu.dma_semaphore, #tpu.memory_space<semaphore_mem>>) src(%dma_wait3A_148 : memref<40x128xi32, #tpu.memory_space<hbm>>) dst(%arg7 : memref<40x128xi32, #tpu.memory_space<vmem>>)
      tpu.yield
    }) : () -> ()
    %dma_start3A_66 = arith.constant 0 : i32
    %dma_start3A_67 = arith.constant 0 : i32
    %dma_start3A_68 = tpu.memref_slice %arg6[%dma_start3A_66, %dma_start3A_67] : memref<40x128xi32, #tpu.memory_space<vmem>> -> memref<1x128xi32, #tpu.memory_space<vmem>>
    %dma_start3A_69 = tpu.memref_squeeze %dma_start3A_68 : memref<1x128xi32, #tpu.memory_space<vmem>> -> memref<128xi32, #tpu.memory_space<vmem>>
    %dma_start3A_70 = arith.constant 0 : i32
    %dma_start3A_71 = arith.constant 0 : i32
    %dma_start3A_72 = tpu.memref_slice %arg2[%dma_start3A_70, %dma_start3A_71] : memref<10240x128xf32, #tpu.memory_space<hbm>> -> memref<10240x128xf32, #tpu.memory_space<hbm>>
    tpu.enqueue_indirect_dma source(%dma_start3A_72 : memref<10240x128xf32, #tpu.memory_space<hbm>>) target(%arg8 : memref<128x128xf32, #tpu.memory_space<vmem>>) offsets(%dma_start3A_69 : memref<128xi32, #tpu.memory_space<vmem>>) semaphore(%arg10 : memref<!tpu.dma_semaphore, #tpu.memory_space<semaphore_mem>>)
    %dma_start3A_73 = arith.constant 1 : i32
    %dma_start3A_74 = arith.constant 0 : i32
    %dma_start3A_75 = tpu.memref_slice %arg6[%dma_start3A_73, %dma_start3A_74] : memref<40x128xi32, #tpu.memory_space<vmem>> -> memref<1x128xi32, #tpu.memory_space<vmem>>
    %dma_start3A_76 = tpu.memref_squeeze %dma_start3A_75 : memref<1x128xi32, #tpu.memory_space<vmem>> -> memref<128xi32, #tpu.memory_space<vmem>>
    %dma_start3A_77 = arith.constant 0 : i32
    %dma_start3A_78 = arith.constant 0 : i32
    %dma_start3A_79 = tpu.memref_slice %arg2[%dma_start3A_77, %dma_start3A_78] : memref<10240x128xf32, #tpu.memory_space<hbm>> -> memref<10240x128xf32, #tpu.memory_space<hbm>>
    tpu.enqueue_indirect_dma source(%dma_start3A_79 : memref<10240x128xf32, #tpu.memory_space<hbm>>) target(%arg9 : memref<128x128xf32, #tpu.memory_space<vmem>>) offsets(%dma_start3A_76 : memref<128xi32, #tpu.memory_space<vmem>>) semaphore(%arg11 : memref<!tpu.dma_semaphore, #tpu.memory_space<semaphore_mem>>)
    %scan3A_80 = arith.constant 0 : i32
    %scan3A_81 = arith.constant 0 : i32
    %scan3A_82 = arith.constant 20 : i32
    %scan3A_83 = arith.addi %scan3A_81, %scan3A_82 : i32
    %scan3A_84 = arith.constant 1 : i32
    scf.for %scan3A_141 = %scan3A_81 to %scan3A_83 step %scan3A_84  : i32 {
      %mul3A_142 = arith.constant 2 : i32
      %mul3A_143 = arith.muli %scan3A_141, %mul3A_142 : i32
      %dma_wait3A_144 = arith.constant 0 : i32
      %dma_wait3A_145 = tpu.memref_slice %arg6[%mul3A_143, %dma_wait3A_144] : memref<40x128xi32, #tpu.memory_space<vmem>> -> memref<1x128xi32, #tpu.memory_space<vmem>>
      %dma_wait3A_146 = tpu.memref_squeeze %dma_wait3A_145 : memref<1x128xi32, #tpu.memory_space<vmem>> -> memref<128xi32, #tpu.memory_space<vmem>>
      %dma_wait3A_147 = arith.constant 0 : i32
      %dma_wait3A_148 = arith.constant 0 : i32
      %dma_wait3A_149 = tpu.memref_slice %arg2[%dma_wait3A_147, %dma_wait3A_148] : memref<10240x128xf32, #tpu.memory_space<hbm>> -> memref<10240x128xf32, #tpu.memory_space<hbm>>
      tpu.wait_indirect_dma semaphore(%arg10 : memref<!tpu.dma_semaphore, #tpu.memory_space<semaphore_mem>>) src(%dma_wait3A_149 : memref<10240x128xf32, #tpu.memory_space<hbm>>) dst(%arg8 : memref<128x128xf32, #tpu.memory_space<vmem>>)
      %dma_start3A_150 = arith.constant 0 : i32
      %dma_start3A_151 = tpu.memref_slice %arg7[%mul3A_143, %dma_start3A_150] : memref<40x128xi32, #tpu.memory_space<vmem>> -> memref<1x128xi32, #tpu.memory_space<vmem>>
      %dma_start3A_152 = tpu.memref_squeeze %dma_start3A_151 : memref<1x128xi32, #tpu.memory_space<vmem>> -> memref<128xi32, #tpu.memory_space<vmem>>
      %dma_start3A_153 = arith.constant 0 : i32
      %dma_start3A_154 = arith.constant 0 : i32
      %dma_start3A_155 = tpu.memref_slice %arg14[%dma_start3A_153, %dma_start3A_154] : memref<10240x128xf32, #tpu.memory_space<vmem_shared>> -> memref<10240x128xf32, #tpu.memory_space<vmem_shared>>
      tpu.enqueue_indirect_dma source(%arg8 : memref<128x128xf32, #tpu.memory_space<vmem>>) target(%dma_start3A_155 : memref<10240x128xf32, #tpu.memory_space<vmem_shared>>) offsets(%dma_start3A_152 : memref<128xi32, #tpu.memory_space<vmem>>) semaphore(%arg12 : memref<!tpu.dma_semaphore, #tpu.memory_space<semaphore_mem>>) {add = true}
      %add3A_156 = arith.constant 1 : i32
      %add3A_157 = arith.addi %mul3A_143, %add3A_156 : i32
      %dma_wait3A_158 = arith.constant 0 : i32
      %dma_wait3A_159 = tpu.memref_slice %arg6[%add3A_157, %dma_wait3A_158] : memref<40x128xi32, #tpu.memory_space<vmem>> -> memref<1x128xi32, #tpu.memory_space<vmem>>
      %dma_wait3A_160 = tpu.memref_squeeze %dma_wait3A_159 : memref<1x128xi32, #tpu.memory_space<vmem>> -> memref<128xi32, #tpu.memory_space<vmem>>
      %dma_wait3A_161 = arith.constant 0 : i32
      %dma_wait3A_162 = arith.constant 0 : i32
      %dma_wait3A_163 = tpu.memref_slice %arg2[%dma_wait3A_161, %dma_wait3A_162] : memref<10240x128xf32, #tpu.memory_space<hbm>> -> memref<10240x128xf32, #tpu.memory_space<hbm>>
      tpu.wait_indirect_dma semaphore(%arg11 : memref<!tpu.dma_semaphore, #tpu.memory_space<semaphore_mem>>) src(%dma_wait3A_163 : memref<10240x128xf32, #tpu.memory_space<hbm>>) dst(%arg9 : memref<128x128xf32, #tpu.memory_space<vmem>>)
      %add3A_164 = arith.constant 1 : i32
      %add3A_165 = arith.addi %mul3A_143, %add3A_164 : i32
      %dma_start3A_166 = arith.constant 0 : i32
      %dma_start3A_167 = tpu.memref_slice %arg7[%add3A_165, %dma_start3A_166] : memref<40x128xi32, #tpu.memory_space<vmem>> -> memref<1x128xi32, #tpu.memory_space<vmem>>
      %dma_start3A_168 = tpu.memref_squeeze %dma_start3A_167 : memref<1x128xi32, #tpu.memory_space<vmem>> -> memref<128xi32, #tpu.memory_space<vmem>>
      %dma_start3A_169 = arith.constant 0 : i32
      %dma_start3A_170 = arith.constant 0 : i32
      %dma_start3A_171 = tpu.memref_slice %arg14[%dma_start3A_169, %dma_start3A_170] : memref<10240x128xf32, #tpu.memory_space<vmem_shared>> -> memref<10240x128xf32, #tpu.memory_space<vmem_shared>>
      tpu.enqueue_indirect_dma source(%arg9 : memref<128x128xf32, #tpu.memory_space<vmem>>) target(%dma_start3A_171 : memref<10240x128xf32, #tpu.memory_space<vmem_shared>>) offsets(%dma_start3A_168 : memref<128xi32, #tpu.memory_space<vmem>>) semaphore(%arg13 : memref<!tpu.dma_semaphore, #tpu.memory_space<semaphore_mem>>) {add = true}
      %add3A_172 = arith.constant 2 : i32
      %add3A_173 = arith.addi %mul3A_143, %add3A_172 : i32
      %min3A = arith.constant 39 : i32
      %min3A_174 = arith.minsi %add3A_173, %min3A : i32
      %add3A_175 = arith.constant 3 : i32
      %add3A_176 = arith.addi %mul3A_143, %add3A_175 : i32
      %min3A_177 = arith.constant 39 : i32
      %min3A_178 = arith.minsi %add3A_176, %min3A_177 : i32
      %dma_wait3A_179 = arith.constant 0 : i32
      %dma_wait3A_180 = tpu.memref_slice %arg7[%mul3A_143, %dma_wait3A_179] : memref<40x128xi32, #tpu.memory_space<vmem>> -> memref<1x128xi32, #tpu.memory_space<vmem>>
      %dma_wait3A_181 = tpu.memref_squeeze %dma_wait3A_180 : memref<1x128xi32, #tpu.memory_space<vmem>> -> memref<128xi32, #tpu.memory_space<vmem>>
      %dma_wait3A_182 = arith.constant 0 : i32
      %dma_wait3A_183 = arith.constant 0 : i32
      %dma_wait3A_184 = tpu.memref_slice %arg14[%dma_wait3A_182, %dma_wait3A_183] : memref<10240x128xf32, #tpu.memory_space<vmem_shared>> -> memref<10240x128xf32, #tpu.memory_space<vmem_shared>>
      tpu.wait_indirect_dma semaphore(%arg12 : memref<!tpu.dma_semaphore, #tpu.memory_space<semaphore_mem>>) src(%arg8 : memref<128x128xf32, #tpu.memory_space<vmem>>) dst(%dma_wait3A_184 : memref<10240x128xf32, #tpu.memory_space<vmem_shared>>)
      %dma_start3A_185 = arith.constant 0 : i32
      %dma_start3A_186 = tpu.memref_slice %arg6[%min3A_174, %dma_start3A_185] : memref<40x128xi32, #tpu.memory_space<vmem>> -> memref<1x128xi32, #tpu.memory_space<vmem>>
      %dma_start3A_187 = tpu.memref_squeeze %dma_start3A_186 : memref<1x128xi32, #tpu.memory_space<vmem>> -> memref<128xi32, #tpu.memory_space<vmem>>
      %dma_start3A_188 = arith.constant 0 : i32
      %dma_start3A_189 = arith.constant 0 : i32
      %dma_start3A_190 = tpu.memref_slice %arg2[%dma_start3A_188, %dma_start3A_189] : memref<10240x128xf32, #tpu.memory_space<hbm>> -> memref<10240x128xf32, #tpu.memory_space<hbm>>
      tpu.enqueue_indirect_dma source(%dma_start3A_190 : memref<10240x128xf32, #tpu.memory_space<hbm>>) target(%arg8 : memref<128x128xf32, #tpu.memory_space<vmem>>) offsets(%dma_start3A_187 : memref<128xi32, #tpu.memory_space<vmem>>) semaphore(%arg10 : memref<!tpu.dma_semaphore, #tpu.memory_space<semaphore_mem>>)
      %add3A_191 = arith.constant 1 : i32
      %add3A_192 = arith.addi %mul3A_143, %add3A_191 : i32
      %dma_wait3A_193 = arith.constant 0 : i32
      %dma_wait3A_194 = tpu.memref_slice %arg7[%add3A_192, %dma_wait3A_193] : memref<40x128xi32, #tpu.memory_space<vmem>> -> memref<1x128xi32, #tpu.memory_space<vmem>>
      %dma_wait3A_195 = tpu.memref_squeeze %dma_wait3A_194 : memref<1x128xi32, #tpu.memory_space<vmem>> -> memref<128xi32, #tpu.memory_space<vmem>>
      %dma_wait3A_196 = arith.constant 0 : i32
      %dma_wait3A_197 = arith.constant 0 : i32
      %dma_wait3A_198 = tpu.memref_slice %arg14[%dma_wait3A_196, %dma_wait3A_197] : memref<10240x128xf32, #tpu.memory_space<vmem_shared>> -> memref<10240x128xf32, #tpu.memory_space<vmem_shared>>
      tpu.wait_indirect_dma semaphore(%arg13 : memref<!tpu.dma_semaphore, #tpu.memory_space<semaphore_mem>>) src(%arg9 : memref<128x128xf32, #tpu.memory_space<vmem>>) dst(%dma_wait3A_198 : memref<10240x128xf32, #tpu.memory_space<vmem_shared>>)
      %dma_start3A_199 = arith.constant 0 : i32
      %dma_start3A_200 = tpu.memref_slice %arg6[%min3A_178, %dma_start3A_199] : memref<40x128xi32, #tpu.memory_space<vmem>> -> memref<1x128xi32, #tpu.memory_space<vmem>>
      %dma_start3A_201 = tpu.memref_squeeze %dma_start3A_200 : memref<1x128xi32, #tpu.memory_space<vmem>> -> memref<128xi32, #tpu.memory_space<vmem>>
      %dma_start3A_202 = arith.constant 0 : i32
      %dma_start3A_203 = arith.constant 0 : i32
      %dma_start3A_204 = tpu.memref_slice %arg2[%dma_start3A_202, %dma_start3A_203] : memref<10240x128xf32, #tpu.memory_space<hbm>> -> memref<10240x128xf32, #tpu.memory_space<hbm>>
      tpu.enqueue_indirect_dma source(%dma_start3A_204 : memref<10240x128xf32, #tpu.memory_space<hbm>>) target(%arg9 : memref<128x128xf32, #tpu.memory_space<vmem>>) offsets(%dma_start3A_201 : memref<128xi32, #tpu.memory_space<vmem>>) semaphore(%arg11 : memref<!tpu.dma_semaphore, #tpu.memory_space<semaphore_mem>>)
    }
    %scan3A_85 = arith.constant 20 : i32
    %dma_wait3A_86 = arith.constant 39 : i32
    %dma_wait3A_87 = arith.constant 0 : i32
    %dma_wait3A_88 = tpu.memref_slice %arg6[%dma_wait3A_86, %dma_wait3A_87] : memref<40x128xi32, #tpu.memory_space<vmem>> -> memref<1x128xi32, #tpu.memory_space<vmem>>
    %dma_wait3A_89 = tpu.memref_squeeze %dma_wait3A_88 : memref<1x128xi32, #tpu.memory_space<vmem>> -> memref<128xi32, #tpu.memory_space<vmem>>
    %dma_wait3A_90 = arith.constant 0 : i32
    %dma_wait3A_91 = arith.constant 0 : i32
    %dma_wait3A_92 = tpu.memref_slice %arg2[%dma_wait3A_90, %dma_wait3A_91] : memref<10240x128xf32, #tpu.memory_space<hbm>> -> memref<10240x128xf32, #tpu.memory_space<hbm>>
    tpu.wait_indirect_dma semaphore(%arg10 : memref<!tpu.dma_semaphore, #tpu.memory_space<semaphore_mem>>) src(%dma_wait3A_92 : memref<10240x128xf32, #tpu.memory_space<hbm>>) dst(%arg8 : memref<128x128xf32, #tpu.memory_space<vmem>>)
    %dma_wait3A_93 = arith.constant 39 : i32
    %dma_wait3A_94 = arith.constant 0 : i32
    %dma_wait3A_95 = tpu.memref_slice %arg6[%dma_wait3A_93, %dma_wait3A_94] : memref<40x128xi32, #tpu.memory_space<vmem>> -> memref<1x128xi32, #tpu.memory_space<vmem>>
    %dma_wait3A_96 = tpu.memref_squeeze %dma_wait3A_95 : memref<1x128xi32, #tpu.memory_space<vmem>> -> memref<128xi32, #tpu.memory_space<vmem>>
    %dma_wait3A_97 = arith.constant 0 : i32
    %dma_wait3A_98 = arith.constant 0 : i32
    %dma_wait3A_99 = tpu.memref_slice %arg2[%dma_wait3A_97, %dma_wait3A_98] : memref<10240x128xf32, #tpu.memory_space<hbm>> -> memref<10240x128xf32, #tpu.memory_space<hbm>>
    tpu.wait_indirect_dma semaphore(%arg11 : memref<!tpu.dma_semaphore, #tpu.memory_space<semaphore_mem>>) src(%dma_wait3A_99 : memref<10240x128xf32, #tpu.memory_space<hbm>>) dst(%arg9 : memref<128x128xf32, #tpu.memory_space<vmem>>)
    %barrier3A_100 = arith.constant 0 : index
    tpu.barrier barrier_id(%barrier3A_100)
    %mul3A_101 = arith.constant 640 : i32
    %mul3A_102 = arith.muli %arg1, %mul3A_101 : i32
    %add3A_103 = arith.constant 0 : i32
    %add3A_104 = arith.addi %mul3A_102, %add3A_103 : i32
    "tpu.region"() ({
      %run_scoped3A = tpu.sem_alloc : memref<!tpu.dma_semaphore, #tpu.memory_space<semaphore_mem>>
      %dma_start3A_141 = arith.constant 0 : i32
      %dma_start3A_142 = tpu.memref_slice %arg14[%add3A_104, %dma_start3A_141] : memref<10240x128xf32, #tpu.memory_space<vmem_shared>> -> memref<128x128xf32, #tpu.memory_space<vmem_shared>>
      %dma_start3A_143 = arith.constant 0 : i32
      %dma_start3A_144 = tpu.memref_slice %arg14[%add3A_104, %dma_start3A_143] : memref<10240x128xf32, #tpu.memory_space<vmem_shared>> -> memref<128x128xf32, #tpu.memory_space<vmem_shared>>
      tpu.enqueue_dma source(%dma_start3A_144 : memref<128x128xf32, #tpu.memory_space<vmem_shared>>) target(%arg8 : memref<128x128xf32, #tpu.memory_space<vmem>>) target_semaphore(%run_scoped3A : memref<!tpu.dma_semaphore, #tpu.memory_space<semaphore_mem>>)
      %dma_wait3A_145 = arith.constant 0 : i32
      %dma_wait3A_146 = tpu.memref_slice %arg14[%add3A_104, %dma_wait3A_145] : memref<10240x128xf32, #tpu.memory_space<vmem_shared>> -> memref<128x128xf32, #tpu.memory_space<vmem_shared>>
      %dma_wait3A_147 = arith.constant 0 : i32
      %dma_wait3A_148 = tpu.memref_slice %arg14[%add3A_104, %dma_wait3A_147] : memref<10240x128xf32, #tpu.memory_space<vmem_shared>> -> memref<128x128xf32, #tpu.memory_space<vmem_shared>>
      tpu.wait_dma2 semaphore(%run_scoped3A : memref<!tpu.dma_semaphore, #tpu.memory_space<semaphore_mem>>) src(%dma_wait3A_148 : memref<128x128xf32, #tpu.memory_space<vmem_shared>>) dst(%arg8 : memref<128x128xf32, #tpu.memory_space<vmem>>)
      tpu.yield
    }) : () -> ()
    %mul3A_105 = arith.constant 640 : i32
    %mul3A_106 = arith.muli %arg1, %mul3A_105 : i32
    %add3A_107 = arith.constant 0 : i32
    %add3A_108 = arith.addi %mul3A_106, %add3A_107 : i32
    "tpu.region"() ({
      %run_scoped3A = tpu.sem_alloc : memref<!tpu.dma_semaphore, #tpu.memory_space<semaphore_mem>>
      %dma_start3A_141 = arith.constant 0 : i32
      %dma_start3A_142 = tpu.memref_slice %arg5[%arg0, %add3A_108, %dma_start3A_141] : memref<2x10240x128xf32, #tpu.memory_space<hbm>> -> memref<1x128x128xf32, #tpu.memory_space<hbm>>
      %dma_start3A_143 = tpu.memref_squeeze %dma_start3A_142 : memref<1x128x128xf32, #tpu.memory_space<hbm>> -> memref<128x128xf32, #tpu.memory_space<hbm>>
      %dma_start3A_144 = arith.constant 0 : i32
      %dma_start3A_145 = tpu.memref_slice %arg5[%arg0, %add3A_108, %dma_start3A_144] : memref<2x10240x128xf32, #tpu.memory_space<hbm>> -> memref<1x128x128xf32, #tpu.memory_space<hbm>>
      %dma_start3A_146 = tpu.memref_squeeze %dma_start3A_145 : memref<1x128x128xf32, #tpu.memory_space<hbm>> -> memref<128x128xf32, #tpu.memory_space<hbm>>
      tpu.enqueue_dma source(%arg8 : memref<128x128xf32, #tpu.memory_space<vmem>>) target(%dma_start3A_146 : memref<128x128xf32, #tpu.memory_space<hbm>>) target_semaphore(%run_scoped3A : memref<!tpu.dma_semaphore, #tpu.memory_space<semaphore_mem>>)
      %dma_wait3A_147 = arith.constant 0 : i32
      %dma_wait3A_148 = tpu.memref_slice %arg5[%arg0, %add3A_108, %dma_wait3A_147] : memref<2x10240x128xf32, #tpu.memory_space<hbm>> -> memref<1x128x128xf32, #tpu.memory_space<hbm>>
      %dma_wait3A_149 = tpu.memref_squeeze %dma_wait3A_148 : memref<1x128x128xf32, #tpu.memory_space<hbm>> -> memref<128x128xf32, #tpu.memory_space<hbm>>
      %dma_wait3A_150 = arith.constant 0 : i32
      %dma_wait3A_151 = tpu.memref_slice %arg5[%arg0, %add3A_108, %dma_wait3A_150] : memref<2x10240x128xf32, #tpu.memory_space<hbm>> -> memref<1x128x128xf32, #tpu.memory_space<hbm>>
      %dma_wait3A_152 = tpu.memref_squeeze %dma_wait3A_151 : memref<1x128x128xf32, #tpu.memory_space<hbm>> -> memref<128x128xf32, #tpu.memory_space<hbm>>
      tpu.wait_dma2 semaphore(%run_scoped3A : memref<!tpu.dma_semaphore, #tpu.memory_space<semaphore_mem>>) src(%arg8 : memref<128x128xf32, #tpu.memory_space<vmem>>) dst(%dma_wait3A_152 : memref<128x128xf32, #tpu.memory_space<hbm>>)
      tpu.yield
    }) : () -> ()
    %mul3A_109 = arith.constant 640 : i32
    %mul3A_110 = arith.muli %arg1, %mul3A_109 : i32
    %add3A_111 = arith.constant 128 : i32
    %add3A_112 = arith.addi %mul3A_110, %add3A_111 : i32
    "tpu.region"() ({
      %run_scoped3A = tpu.sem_alloc : memref<!tpu.dma_semaphore, #tpu.memory_space<semaphore_mem>>
      %dma_start3A_141 = arith.constant 0 : i32
      %dma_start3A_142 = tpu.memref_slice %arg14[%add3A_112, %dma_start3A_141] : memref<10240x128xf32, #tpu.memory_space<vmem_shared>> -> memref<128x128xf32, #tpu.memory_space<vmem_shared>>
      %dma_start3A_143 = arith.constant 0 : i32
      %dma_start3A_144 = tpu.memref_slice %arg14[%add3A_112, %dma_start3A_143] : memref<10240x128xf32, #tpu.memory_space<vmem_shared>> -> memref<128x128xf32, #tpu.memory_space<vmem_shared>>
      tpu.enqueue_dma source(%dma_start3A_144 : memref<128x128xf32, #tpu.memory_space<vmem_shared>>) target(%arg8 : memref<128x128xf32, #tpu.memory_space<vmem>>) target_semaphore(%run_scoped3A : memref<!tpu.dma_semaphore, #tpu.memory_space<semaphore_mem>>)
      %dma_wait3A_145 = arith.constant 0 : i32
      %dma_wait3A_146 = tpu.memref_slice %arg14[%add3A_112, %dma_wait3A_145] : memref<10240x128xf32, #tpu.memory_space<vmem_shared>> -> memref<128x128xf32, #tpu.memory_space<vmem_shared>>
      %dma_wait3A_147 = arith.constant 0 : i32
      %dma_wait3A_148 = tpu.memref_slice %arg14[%add3A_112, %dma_wait3A_147] : memref<10240x128xf32, #tpu.memory_space<vmem_shared>> -> memref<128x128xf32, #tpu.memory_space<vmem_shared>>
      tpu.wait_dma2 semaphore(%run_scoped3A : memref<!tpu.dma_semaphore, #tpu.memory_space<semaphore_mem>>) src(%dma_wait3A_148 : memref<128x128xf32, #tpu.memory_space<vmem_shared>>) dst(%arg8 : memref<128x128xf32, #tpu.memory_space<vmem>>)
      tpu.yield
    }) : () -> ()
    %mul3A_113 = arith.constant 640 : i32
    %mul3A_114 = arith.muli %arg1, %mul3A_113 : i32
    %add3A_115 = arith.constant 128 : i32
    %add3A_116 = arith.addi %mul3A_114, %add3A_115 : i32
    "tpu.region"() ({
      %run_scoped3A = tpu.sem_alloc : memref<!tpu.dma_semaphore, #tpu.memory_space<semaphore_mem>>
      %dma_start3A_141 = arith.constant 0 : i32
      %dma_start3A_142 = tpu.memref_slice %arg5[%arg0, %add3A_116, %dma_start3A_141] : memref<2x10240x128xf32, #tpu.memory_space<hbm>> -> memref<1x128x128xf32, #tpu.memory_space<hbm>>
      %dma_start3A_143 = tpu.memref_squeeze %dma_start3A_142 : memref<1x128x128xf32, #tpu.memory_space<hbm>> -> memref<128x128xf32, #tpu.memory_space<hbm>>
      %dma_start3A_144 = arith.constant 0 : i32
      %dma_start3A_145 = tpu.memref_slice %arg5[%arg0, %add3A_116, %dma_start3A_144] : memref<2x10240x128xf32, #tpu.memory_space<hbm>> -> memref<1x128x128xf32, #tpu.memory_space<hbm>>
      %dma_start3A_146 = tpu.memref_squeeze %dma_start3A_145 : memref<1x128x128xf32, #tpu.memory_space<hbm>> -> memref<128x128xf32, #tpu.memory_space<hbm>>
      tpu.enqueue_dma source(%arg8 : memref<128x128xf32, #tpu.memory_space<vmem>>) target(%dma_start3A_146 : memref<128x128xf32, #tpu.memory_space<hbm>>) target_semaphore(%run_scoped3A : memref<!tpu.dma_semaphore, #tpu.memory_space<semaphore_mem>>)
      %dma_wait3A_147 = arith.constant 0 : i32
      %dma_wait3A_148 = tpu.memref_slice %arg5[%arg0, %add3A_116, %dma_wait3A_147] : memref<2x10240x128xf32, #tpu.memory_space<hbm>> -> memref<1x128x128xf32, #tpu.memory_space<hbm>>
      %dma_wait3A_149 = tpu.memref_squeeze %dma_wait3A_148 : memref<1x128x128xf32, #tpu.memory_space<hbm>> -> memref<128x128xf32, #tpu.memory_space<hbm>>
      %dma_wait3A_150 = arith.constant 0 : i32
      %dma_wait3A_151 = tpu.memref_slice %arg5[%arg0, %add3A_116, %dma_wait3A_150] : memref<2x10240x128xf32, #tpu.memory_space<hbm>> -> memref<1x128x128xf32, #tpu.memory_space<hbm>>
      %dma_wait3A_152 = tpu.memref_squeeze %dma_wait3A_151 : memref<1x128x128xf32, #tpu.memory_space<hbm>> -> memref<128x128xf32, #tpu.memory_space<hbm>>
      tpu.wait_dma2 semaphore(%run_scoped3A : memref<!tpu.dma_semaphore, #tpu.memory_space<semaphore_mem>>) src(%arg8 : memref<128x128xf32, #tpu.memory_space<vmem>>) dst(%dma_wait3A_152 : memref<128x128xf32, #tpu.memory_space<hbm>>)
      tpu.yield
    }) : () -> ()
    %mul3A_117 = arith.constant 640 : i32
    %mul3A_118 = arith.muli %arg1, %mul3A_117 : i32
    %add3A_119 = arith.constant 256 : i32
    %add3A_120 = arith.addi %mul3A_118, %add3A_119 : i32
    "tpu.region"() ({
      %run_scoped3A = tpu.sem_alloc : memref<!tpu.dma_semaphore, #tpu.memory_space<semaphore_mem>>
      %dma_start3A_141 = arith.constant 0 : i32
      %dma_start3A_142 = tpu.memref_slice %arg14[%add3A_120, %dma_start3A_141] : memref<10240x128xf32, #tpu.memory_space<vmem_shared>> -> memref<128x128xf32, #tpu.memory_space<vmem_shared>>
      %dma_start3A_143 = arith.constant 0 : i32
      %dma_start3A_144 = tpu.memref_slice %arg14[%add3A_120, %dma_start3A_143] : memref<10240x128xf32, #tpu.memory_space<vmem_shared>> -> memref<128x128xf32, #tpu.memory_space<vmem_shared>>
      tpu.enqueue_dma source(%dma_start3A_144 : memref<128x128xf32, #tpu.memory_space<vmem_shared>>) target(%arg8 : memref<128x128xf32, #tpu.memory_space<vmem>>) target_semaphore(%run_scoped3A : memref<!tpu.dma_semaphore, #tpu.memory_space<semaphore_mem>>)
      %dma_wait3A_145 = arith.constant 0 : i32
      %dma_wait3A_146 = tpu.memref_slice %arg14[%add3A_120, %dma_wait3A_145] : memref<10240x128xf32, #tpu.memory_space<vmem_shared>> -> memref<128x128xf32, #tpu.memory_space<vmem_shared>>
      %dma_wait3A_147 = arith.constant 0 : i32
      %dma_wait3A_148 = tpu.memref_slice %arg14[%add3A_120, %dma_wait3A_147] : memref<10240x128xf32, #tpu.memory_space<vmem_shared>> -> memref<128x128xf32, #tpu.memory_space<vmem_shared>>
      tpu.wait_dma2 semaphore(%run_scoped3A : memref<!tpu.dma_semaphore, #tpu.memory_space<semaphore_mem>>) src(%dma_wait3A_148 : memref<128x128xf32, #tpu.memory_space<vmem_shared>>) dst(%arg8 : memref<128x128xf32, #tpu.memory_space<vmem>>)
      tpu.yield
    }) : () -> ()
    %mul3A_121 = arith.constant 640 : i32
    %mul3A_122 = arith.muli %arg1, %mul3A_121 : i32
    %add3A_123 = arith.constant 256 : i32
    %add3A_124 = arith.addi %mul3A_122, %add3A_123 : i32
    "tpu.region"() ({
      %run_scoped3A = tpu.sem_alloc : memref<!tpu.dma_semaphore, #tpu.memory_space<semaphore_mem>>
      %dma_start3A_141 = arith.constant 0 : i32
      %dma_start3A_142 = tpu.memref_slice %arg5[%arg0, %add3A_124, %dma_start3A_141] : memref<2x10240x128xf32, #tpu.memory_space<hbm>> -> memref<1x128x128xf32, #tpu.memory_space<hbm>>
      %dma_start3A_143 = tpu.memref_squeeze %dma_start3A_142 : memref<1x128x128xf32, #tpu.memory_space<hbm>> -> memref<128x128xf32, #tpu.memory_space<hbm>>
      %dma_start3A_144 = arith.constant 0 : i32
      %dma_start3A_145 = tpu.memref_slice %arg5[%arg0, %add3A_124, %dma_start3A_144] : memref<2x10240x128xf32, #tpu.memory_space<hbm>> -> memref<1x128x128xf32, #tpu.memory_space<hbm>>
      %dma_start3A_146 = tpu.memref_squeeze %dma_start3A_145 : memref<1x128x128xf32, #tpu.memory_space<hbm>> -> memref<128x128xf32, #tpu.memory_space<hbm>>
      tpu.enqueue_dma source(%arg8 : memref<128x128xf32, #tpu.memory_space<vmem>>) target(%dma_start3A_146 : memref<128x128xf32, #tpu.memory_space<hbm>>) target_semaphore(%run_scoped3A : memref<!tpu.dma_semaphore, #tpu.memory_space<semaphore_mem>>)
      %dma_wait3A_147 = arith.constant 0 : i32
      %dma_wait3A_148 = tpu.memref_slice %arg5[%arg0, %add3A_124, %dma_wait3A_147] : memref<2x10240x128xf32, #tpu.memory_space<hbm>> -> memref<1x128x128xf32, #tpu.memory_space<hbm>>
      %dma_wait3A_149 = tpu.memref_squeeze %dma_wait3A_148 : memref<1x128x128xf32, #tpu.memory_space<hbm>> -> memref<128x128xf32, #tpu.memory_space<hbm>>
      %dma_wait3A_150 = arith.constant 0 : i32
      %dma_wait3A_151 = tpu.memref_slice %arg5[%arg0, %add3A_124, %dma_wait3A_150] : memref<2x10240x128xf32, #tpu.memory_space<hbm>> -> memref<1x128x128xf32, #tpu.memory_space<hbm>>
      %dma_wait3A_152 = tpu.memref_squeeze %dma_wait3A_151 : memref<1x128x128xf32, #tpu.memory_space<hbm>> -> memref<128x128xf32, #tpu.memory_space<hbm>>
      tpu.wait_dma2 semaphore(%run_scoped3A : memref<!tpu.dma_semaphore, #tpu.memory_space<semaphore_mem>>) src(%arg8 : memref<128x128xf32, #tpu.memory_space<vmem>>) dst(%dma_wait3A_152 : memref<128x128xf32, #tpu.memory_space<hbm>>)
      tpu.yield
    }) : () -> ()
    %mul3A_125 = arith.constant 640 : i32
    %mul3A_126 = arith.muli %arg1, %mul3A_125 : i32
    %add3A_127 = arith.constant 384 : i32
    %add3A_128 = arith.addi %mul3A_126, %add3A_127 : i32
    "tpu.region"() ({
      %run_scoped3A = tpu.sem_alloc : memref<!tpu.dma_semaphore, #tpu.memory_space<semaphore_mem>>
      %dma_start3A_141 = arith.constant 0 : i32
      %dma_start3A_142 = tpu.memref_slice %arg14[%add3A_128, %dma_start3A_141] : memref<10240x128xf32, #tpu.memory_space<vmem_shared>> -> memref<128x128xf32, #tpu.memory_space<vmem_shared>>
      %dma_start3A_143 = arith.constant 0 : i32
      %dma_start3A_144 = tpu.memref_slice %arg14[%add3A_128, %dma_start3A_143] : memref<10240x128xf32, #tpu.memory_space<vmem_shared>> -> memref<128x128xf32, #tpu.memory_space<vmem_shared>>
      tpu.enqueue_dma source(%dma_start3A_144 : memref<128x128xf32, #tpu.memory_space<vmem_shared>>) target(%arg8 : memref<128x128xf32, #tpu.memory_space<vmem>>) target_semaphore(%run_scoped3A : memref<!tpu.dma_semaphore, #tpu.memory_space<semaphore_mem>>)
      %dma_wait3A_145 = arith.constant 0 : i32
      %dma_wait3A_146 = tpu.memref_slice %arg14[%add3A_128, %dma_wait3A_145] : memref<10240x128xf32, #tpu.memory_space<vmem_shared>> -> memref<128x128xf32, #tpu.memory_space<vmem_shared>>
      %dma_wait3A_147 = arith.constant 0 : i32
      %dma_wait3A_148 = tpu.memref_slice %arg14[%add3A_128, %dma_wait3A_147] : memref<10240x128xf32, #tpu.memory_space<vmem_shared>> -> memref<128x128xf32, #tpu.memory_space<vmem_shared>>
      tpu.wait_dma2 semaphore(%run_scoped3A : memref<!tpu.dma_semaphore, #tpu.memory_space<semaphore_mem>>) src(%dma_wait3A_148 : memref<128x128xf32, #tpu.memory_space<vmem_shared>>) dst(%arg8 : memref<128x128xf32, #tpu.memory_space<vmem>>)
      tpu.yield
    }) : () -> ()
    %mul3A_129 = arith.constant 640 : i32
    %mul3A_130 = arith.muli %arg1, %mul3A_129 : i32
    %add3A_131 = arith.constant 384 : i32
    %add3A_132 = arith.addi %mul3A_130, %add3A_131 : i32
    "tpu.region"() ({
      %run_scoped3A = tpu.sem_alloc : memref<!tpu.dma_semaphore, #tpu.memory_space<semaphore_mem>>
      %dma_start3A_141 = arith.constant 0 : i32
      %dma_start3A_142 = tpu.memref_slice %arg5[%arg0, %add3A_132, %dma_start3A_141] : memref<2x10240x128xf32, #tpu.memory_space<hbm>> -> memref<1x128x128xf32, #tpu.memory_space<hbm>>
      %dma_start3A_143 = tpu.memref_squeeze %dma_start3A_142 : memref<1x128x128xf32, #tpu.memory_space<hbm>> -> memref<128x128xf32, #tpu.memory_space<hbm>>
      %dma_start3A_144 = arith.constant 0 : i32
      %dma_start3A_145 = tpu.memref_slice %arg5[%arg0, %add3A_132, %dma_start3A_144] : memref<2x10240x128xf32, #tpu.memory_space<hbm>> -> memref<1x128x128xf32, #tpu.memory_space<hbm>>
      %dma_start3A_146 = tpu.memref_squeeze %dma_start3A_145 : memref<1x128x128xf32, #tpu.memory_space<hbm>> -> memref<128x128xf32, #tpu.memory_space<hbm>>
      tpu.enqueue_dma source(%arg8 : memref<128x128xf32, #tpu.memory_space<vmem>>) target(%dma_start3A_146 : memref<128x128xf32, #tpu.memory_space<hbm>>) target_semaphore(%run_scoped3A : memref<!tpu.dma_semaphore, #tpu.memory_space<semaphore_mem>>)
      %dma_wait3A_147 = arith.constant 0 : i32
      %dma_wait3A_148 = tpu.memref_slice %arg5[%arg0, %add3A_132, %dma_wait3A_147] : memref<2x10240x128xf32, #tpu.memory_space<hbm>> -> memref<1x128x128xf32, #tpu.memory_space<hbm>>
      %dma_wait3A_149 = tpu.memref_squeeze %dma_wait3A_148 : memref<1x128x128xf32, #tpu.memory_space<hbm>> -> memref<128x128xf32, #tpu.memory_space<hbm>>
      %dma_wait3A_150 = arith.constant 0 : i32
      %dma_wait3A_151 = tpu.memref_slice %arg5[%arg0, %add3A_132, %dma_wait3A_150] : memref<2x10240x128xf32, #tpu.memory_space<hbm>> -> memref<1x128x128xf32, #tpu.memory_space<hbm>>
      %dma_wait3A_152 = tpu.memref_squeeze %dma_wait3A_151 : memref<1x128x128xf32, #tpu.memory_space<hbm>> -> memref<128x128xf32, #tpu.memory_space<hbm>>
      tpu.wait_dma2 semaphore(%run_scoped3A : memref<!tpu.dma_semaphore, #tpu.memory_space<semaphore_mem>>) src(%arg8 : memref<128x128xf32, #tpu.memory_space<vmem>>) dst(%dma_wait3A_152 : memref<128x128xf32, #tpu.memory_space<hbm>>)
      tpu.yield
    }) : () -> ()
    %mul3A_133 = arith.constant 640 : i32
    %mul3A_134 = arith.muli %arg1, %mul3A_133 : i32
    %add3A_135 = arith.constant 512 : i32
    %add3A_136 = arith.addi %mul3A_134, %add3A_135 : i32
    "tpu.region"() ({
      %run_scoped3A = tpu.sem_alloc : memref<!tpu.dma_semaphore, #tpu.memory_space<semaphore_mem>>
      %dma_start3A_141 = arith.constant 0 : i32
      %dma_start3A_142 = tpu.memref_slice %arg14[%add3A_136, %dma_start3A_141] : memref<10240x128xf32, #tpu.memory_space<vmem_shared>> -> memref<128x128xf32, #tpu.memory_space<vmem_shared>>
      %dma_start3A_143 = arith.constant 0 : i32
      %dma_start3A_144 = tpu.memref_slice %arg14[%add3A_136, %dma_start3A_143] : memref<10240x128xf32, #tpu.memory_space<vmem_shared>> -> memref<128x128xf32, #tpu.memory_space<vmem_shared>>
      tpu.enqueue_dma source(%dma_start3A_144 : memref<128x128xf32, #tpu.memory_space<vmem_shared>>) target(%arg8 : memref<128x128xf32, #tpu.memory_space<vmem>>) target_semaphore(%run_scoped3A : memref<!tpu.dma_semaphore, #tpu.memory_space<semaphore_mem>>)
      %dma_wait3A_145 = arith.constant 0 : i32
      %dma_wait3A_146 = tpu.memref_slice %arg14[%add3A_136, %dma_wait3A_145] : memref<10240x128xf32, #tpu.memory_space<vmem_shared>> -> memref<128x128xf32, #tpu.memory_space<vmem_shared>>
      %dma_wait3A_147 = arith.constant 0 : i32
      %dma_wait3A_148 = tpu.memref_slice %arg14[%add3A_136, %dma_wait3A_147] : memref<10240x128xf32, #tpu.memory_space<vmem_shared>> -> memref<128x128xf32, #tpu.memory_space<vmem_shared>>
      tpu.wait_dma2 semaphore(%run_scoped3A : memref<!tpu.dma_semaphore, #tpu.memory_space<semaphore_mem>>) src(%dma_wait3A_148 : memref<128x128xf32, #tpu.memory_space<vmem_shared>>) dst(%arg8 : memref<128x128xf32, #tpu.memory_space<vmem>>)
      tpu.yield
    }) : () -> ()
    %mul3A_137 = arith.constant 640 : i32
    %mul3A_138 = arith.muli %arg1, %mul3A_137 : i32
    %add3A_139 = arith.constant 512 : i32
    %add3A_140 = arith.addi %mul3A_138, %add3A_139 : i32
    "tpu.region"() ({
      %run_scoped3A = tpu.sem_alloc : memref<!tpu.dma_semaphore, #tpu.memory_space<semaphore_mem>>
      %dma_start3A_141 = arith.constant 0 : i32
      %dma_start3A_142 = tpu.memref_slice %arg5[%arg0, %add3A_140, %dma_start3A_141] : memref<2x10240x128xf32, #tpu.memory_space<hbm>> -> memref<1x128x128xf32, #tpu.memory_space<hbm>>
      %dma_start3A_143 = tpu.memref_squeeze %dma_start3A_142 : memref<1x128x128xf32, #tpu.memory_space<hbm>> -> memref<128x128xf32, #tpu.memory_space<hbm>>
      %dma_start3A_144 = arith.constant 0 : i32
      %dma_start3A_145 = tpu.memref_slice %arg5[%arg0, %add3A_140, %dma_start3A_144] : memref<2x10240x128xf32, #tpu.memory_space<hbm>> -> memref<1x128x128xf32, #tpu.memory_space<hbm>>
      %dma_start3A_146 = tpu.memref_squeeze %dma_start3A_145 : memref<1x128x128xf32, #tpu.memory_space<hbm>> -> memref<128x128xf32, #tpu.memory_space<hbm>>
      tpu.enqueue_dma source(%arg8 : memref<128x128xf32, #tpu.memory_space<vmem>>) target(%dma_start3A_146 : memref<128x128xf32, #tpu.memory_space<hbm>>) target_semaphore(%run_scoped3A : memref<!tpu.dma_semaphore, #tpu.memory_space<semaphore_mem>>)
      %dma_wait3A_147 = arith.constant 0 : i32
      %dma_wait3A_148 = tpu.memref_slice %arg5[%arg0, %add3A_140, %dma_wait3A_147] : memref<2x10240x128xf32, #tpu.memory_space<hbm>> -> memref<1x128x128xf32, #tpu.memory_space<hbm>>
      %dma_wait3A_149 = tpu.memref_squeeze %dma_wait3A_148 : memref<1x128x128xf32, #tpu.memory_space<hbm>> -> memref<128x128xf32, #tpu.memory_space<hbm>>
      %dma_wait3A_150 = arith.constant 0 : i32
      %dma_wait3A_151 = tpu.memref_slice %arg5[%arg0, %add3A_140, %dma_wait3A_150] : memref<2x10240x128xf32, #tpu.memory_space<hbm>> -> memref<1x128x128xf32, #tpu.memory_space<hbm>>
      %dma_wait3A_152 = tpu.memref_squeeze %dma_wait3A_151 : memref<1x128x128xf32, #tpu.memory_space<hbm>> -> memref<128x128xf32, #tpu.memory_space<hbm>>
      tpu.wait_dma2 semaphore(%run_scoped3A : memref<!tpu.dma_semaphore, #tpu.memory_space<semaphore_mem>>) src(%arg8 : memref<128x128xf32, #tpu.memory_space<vmem>>) dst(%dma_wait3A_152 : memref<128x128xf32, #tpu.memory_space<hbm>>)
      tpu.yield
    }) : () -> ()
    return
  }
}

module attributes {stable_mosaic.version = 14 : i64} {
  func.func @_mm1_body(%arg0: i32, %arg1: memref<1280x4xf32, #tpu.memory_space<vmem>>, %arg2: memref<1280x128xf32, #tpu.memory_space<vmem>>, %arg3: memref<128x384xf32, #tpu.memory_space<vmem>>, %arg4: memref<1280x128xf32, #tpu.memory_space<vmem>>, %arg5: memref<1280x128xf32, #tpu.memory_space<vmem>>, %arg6: memref<1280x128xf32, #tpu.memory_space<vmem>>) attributes {dimension_semantics = [#tpu.dimension_semantics<arbitrary>], iteration_bounds = array<i64: 8>, scalar_prefetch = 0 : i64, scratch_operands = 0 : i64, tpu.core_type = #tpu.core_type<tc>, window_params = [{transform_indices = @transform_0, window_bounds = array<i64: 1280, 4>}, {transform_indices = @transform_1, window_bounds = array<i64: 1280, 128>}, {pipeline_mode = #tpu.pipeline_mode<synchronous>, transform_indices = @transform_2, window_bounds = array<i64: 128, 384>}, {transform_indices = @transform_3, window_bounds = array<i64: 1280, 128>}, {transform_indices = @transform_4, window_bounds = array<i64: 1280, 128>}, {transform_indices = @transform_5, window_bounds = array<i64: 1280, 128>}]} {
    %get3A = arith.constant 0 : index
    %get3A_0 = arith.constant 0 : index
    %get3A_1 = vector.load %arg1[%get3A, %get3A_0] : memref<1280x4xf32, #tpu.memory_space<vmem>>, vector<1280x4xf32>
    %slice3A = vector.extract_strided_slice %get3A_1 {offsets = [0, 0], sizes = [1280, 1], strides = [1, 1]} : vector<1280x4xf32> to vector<1280x1xf32>
    %slice3A_2 = vector.extract_strided_slice %get3A_1 {offsets = [0, 1], sizes = [1280, 1], strides = [1, 1]} : vector<1280x4xf32> to vector<1280x1xf32>
    %add3A = arith.addf %slice3A, %slice3A_2 : vector<1280x1xf32>
    %max3A = arith.constant 1.000000e+00 : f32
    %max3A_3 = vector.broadcast %max3A : f32 to vector<1280x1xf32>
    %max3A_4 = arith.maximumf %add3A, %max3A_3 : vector<1280x1xf32>
    %rsqrt3A = math.rsqrt %max3A_4 : vector<1280x1xf32>
    %get3A_5 = arith.constant 0 : index
    %get3A_6 = arith.constant 0 : index
    %get3A_7 = vector.load %arg2[%get3A_5, %get3A_6] : memref<1280x128xf32, #tpu.memory_space<vmem>>, vector<1280x128xf32>
    %get3A_8 = arith.constant 0 : index
    %get3A_9 = arith.constant 0 : index
    %get3A_10 = vector.load %arg3[%get3A_8, %get3A_9] : memref<128x384xf32, #tpu.memory_space<vmem>>, vector<128x384xf32>
    %dot_general3A = arith.constant dense<0.000000e+00> : vector<1280x384xf32>
    %dot_general3A_11 = tpu.matmul %get3A_7, %get3A_10, %dot_general3A {dimension_numbers = #tpu.dot_dimension_numbers<[1], [0], [0], [1], [0, 0, 1, 1], [], []>, transpose_lhs_hint = false} : vector<1280x128xf32>, vector<128x384xf32>, vector<1280x384xf32> -> vector<1280x384xf32>
    %slice3A_12 = vector.extract_strided_slice %dot_general3A_11 {offsets = [0, 0], sizes = [1280, 128], strides = [1, 1]} : vector<1280x384xf32> to vector<1280x128xf32>
    %mul3A = vector.broadcast %rsqrt3A : vector<1280x1xf32> to vector<1280x128xf32>
    %mul3A_13 = arith.mulf %slice3A_12, %mul3A : vector<1280x128xf32>
    %swap3A = arith.constant 0 : index
    %swap3A_14 = arith.constant 0 : index
    %swap3A_15 = vector.load %arg4[%swap3A, %swap3A_14] : memref<1280x128xf32, #tpu.memory_space<vmem>>, vector<1280x128xf32>
    tpu.vector_store %arg4[%swap3A, %swap3A_14], %mul3A_13 {strides = array<i32>} : memref<1280x128xf32, #tpu.memory_space<vmem>>, vector<1280x128xf32>,
    %slice3A_16 = vector.extract_strided_slice %dot_general3A_11 {offsets = [0, 128], sizes = [1280, 128], strides = [1, 1]} : vector<1280x384xf32> to vector<1280x128xf32>
    %swap3A_17 = arith.constant 0 : index
    %swap3A_18 = arith.constant 0 : index
    %swap3A_19 = vector.load %arg5[%swap3A_17, %swap3A_18] : memref<1280x128xf32, #tpu.memory_space<vmem>>, vector<1280x128xf32>
    tpu.vector_store %arg5[%swap3A_17, %swap3A_18], %slice3A_16 {strides = array<i32>} : memref<1280x128xf32, #tpu.memory_space<vmem>>, vector<1280x128xf32>,
    %slice3A_20 = vector.extract_strided_slice %dot_general3A_11 {offsets = [0, 256], sizes = [1280, 128], strides = [1, 1]} : vector<1280x384xf32> to vector<1280x128xf32>
    %swap3A_21 = arith.constant 0 : index
    %swap3A_22 = arith.constant 0 : index
    %swap3A_23 = vector.load %arg6[%swap3A_21, %swap3A_22] : memref<1280x128xf32, #tpu.memory_space<vmem>>, vector<1280x128xf32>
    tpu.vector_store %arg6[%swap3A_21, %swap3A_22], %slice3A_20 {strides = array<i32>} : memref<1280x128xf32, #tpu.memory_space<vmem>>, vector<1280x128xf32>,
    return
  }
  func.func @transform_0(%arg0: i32) -> (i32, i32) {
    %c0_i32 = arith.constant 0 : i32
    %c0_i32_0 = arith.constant 0 : i32
    return %arg0, %c0_i32 : i32, i32
  }
  func.func @transform_1(%arg0: i32) -> (i32, i32) {
    %c0_i32 = arith.constant 0 : i32
    %c0_i32_0 = arith.constant 0 : i32
    return %arg0, %c0_i32 : i32, i32
  }
  func.func @transform_2(%arg0: i32) -> (i32, i32) {
    %c0_i32 = arith.constant 0 : i32
    %c0_i32_0 = arith.constant 0 : i32
    %c0_i32_1 = arith.constant 0 : i32
    return %c0_i32, %c0_i32_0 : i32, i32
  }
  func.func @transform_3(%arg0: i32) -> (i32, i32) {
    %c0_i32 = arith.constant 0 : i32
    %c0_i32_0 = arith.constant 0 : i32
    return %arg0, %c0_i32 : i32, i32
  }
  func.func @transform_4(%arg0: i32) -> (i32, i32) {
    %c0_i32 = arith.constant 0 : i32
    %c0_i32_0 = arith.constant 0 : i32
    return %arg0, %c0_i32 : i32, i32
  }
  func.func @transform_5(%arg0: i32) -> (i32, i32) {
    %c0_i32 = arith.constant 0 : i32
    %c0_i32_0 = arith.constant 0 : i32
    return %arg0, %c0_i32 : i32, i32
  }
}

module attributes {stable_mosaic.version = 14 : i64} {
  func.func @_mm2_body(%arg0: i32, %arg1: memref<1280x4xf32, #tpu.memory_space<vmem>>, %arg2: memref<2x1280x128xf32, #tpu.memory_space<vmem>>, %arg3: memref<1280x128xf32, #tpu.memory_space<vmem>>, %arg4: memref<1280x128xf32, #tpu.memory_space<vmem>>, %arg5: memref<128x256xf32, #tpu.memory_space<vmem>>, %arg6: memref<1280x128xf32, #tpu.memory_space<vmem>>) attributes {dimension_semantics = [#tpu.dimension_semantics<arbitrary>], iteration_bounds = array<i64: 8>, scalar_prefetch = 0 : i64, scratch_operands = 0 : i64, tpu.core_type = #tpu.core_type<tc>, window_params = [{transform_indices = @transform_0, window_bounds = array<i64: 1280, 4>}, {transform_indices = @transform_1, window_bounds = array<i64: 2, 1280, 128>}, {transform_indices = @transform_2, window_bounds = array<i64: 1280, 128>}, {transform_indices = @transform_3, window_bounds = array<i64: 1280, 128>}, {pipeline_mode = #tpu.pipeline_mode<synchronous>, transform_indices = @transform_4, window_bounds = array<i64: 128, 256>}, {transform_indices = @transform_5, window_bounds = array<i64: 1280, 128>}]} {
    %get3A = arith.constant 0 : index
    %get3A_0 = arith.constant 0 : index
    %get3A_1 = vector.load %arg1[%get3A, %get3A_0] : memref<1280x4xf32, #tpu.memory_space<vmem>>, vector<1280x4xf32>
    %slice3A = vector.extract_strided_slice %get3A_1 {offsets = [0, 2], sizes = [1280, 1], strides = [1, 1]} : vector<1280x4xf32> to vector<1280x1xf32>
    %slice3A_2 = vector.extract_strided_slice %get3A_1 {offsets = [0, 3], sizes = [1280, 1], strides = [1, 1]} : vector<1280x4xf32> to vector<1280x1xf32>
    %add3A = arith.addf %slice3A, %slice3A_2 : vector<1280x1xf32>
    %max3A = arith.constant 1.000000e+00 : f32
    %max3A_3 = vector.broadcast %max3A : f32 to vector<1280x1xf32>
    %max3A_4 = arith.maximumf %add3A, %max3A_3 : vector<1280x1xf32>
    %rsqrt3A = math.rsqrt %max3A_4 : vector<1280x1xf32>
    %get3A_5 = arith.constant 0 : index
    %get3A_6 = arith.constant 0 : index
    %get3A_7 = arith.constant 0 : index
    %get3A_8 = vector.load %arg2[%get3A_5, %get3A_6, %get3A_7] : memref<2x1280x128xf32, #tpu.memory_space<vmem>>, vector<2x1280x128xf32>
    %slice3A_9 = vector.extract_strided_slice %get3A_8 {offsets = [0, 0, 0], sizes = [1, 1280, 128], strides = [1, 1, 1]} : vector<2x1280x128xf32> to vector<1x1280x128xf32>
    %squeeze3A = vector.shape_cast %slice3A_9 : vector<1x1280x128xf32> to vector<1280x128xf32>
    %slice3A_10 = vector.extract_strided_slice %get3A_8 {offsets = [1, 0, 0], sizes = [1, 1280, 128], strides = [1, 1, 1]} : vector<2x1280x128xf32> to vector<1x1280x128xf32>
    %squeeze3A_11 = vector.shape_cast %slice3A_10 : vector<1x1280x128xf32> to vector<1280x128xf32>
    %add3A_12 = arith.addf %squeeze3A, %squeeze3A_11 : vector<1280x128xf32>
    %mul3A = vector.broadcast %rsqrt3A : vector<1280x1xf32> to vector<1280x128xf32>
    %mul3A_13 = arith.mulf %add3A_12, %mul3A : vector<1280x128xf32>
    %get3A_14 = arith.constant 0 : index
    %get3A_15 = arith.constant 0 : index
    %get3A_16 = vector.load %arg5[%get3A_14, %get3A_15] : memref<128x256xf32, #tpu.memory_space<vmem>>, vector<128x256xf32>
    %dot_general3A = arith.constant dense<0.000000e+00> : vector<1280x256xf32>
    %dot_general3A_17 = tpu.matmul %mul3A_13, %get3A_16, %dot_general3A {dimension_numbers = #tpu.dot_dimension_numbers<[1], [0], [0], [1], [0, 0, 1, 1], [], []>, transpose_lhs_hint = false} : vector<1280x128xf32>, vector<128x256xf32>, vector<1280x256xf32> -> vector<1280x256xf32>
    %slice3A_18 = vector.extract_strided_slice %dot_general3A_17 {offsets = [0, 0], sizes = [1280, 128], strides = [1, 1]} : vector<1280x256xf32> to vector<1280x128xf32>
    %get3A_19 = arith.constant 0 : index
    %get3A_20 = arith.constant 0 : index
    %get3A_21 = vector.load %arg3[%get3A_19, %get3A_20] : memref<1280x128xf32, #tpu.memory_space<vmem>>, vector<1280x128xf32>
    %add3A_22 = arith.addf %slice3A_18, %get3A_21 : vector<1280x128xf32>
    %max3A_23 = arith.constant 0.000000e+00 : f32
    %max3A_24 = vector.broadcast %max3A_23 : f32 to vector<1280x128xf32>
    %max3A_25 = arith.maximumf %add3A_22, %max3A_24 : vector<1280x128xf32>
    %get3A_26 = arith.constant 0 : index
    %get3A_27 = arith.constant 0 : index
    %get3A_28 = vector.load %arg4[%get3A_26, %get3A_27] : memref<1280x128xf32, #tpu.memory_space<vmem>>, vector<1280x128xf32>
    %slice3A_29 = vector.extract_strided_slice %dot_general3A_17 {offsets = [0, 128], sizes = [1280, 128], strides = [1, 1]} : vector<1280x256xf32> to vector<1280x128xf32>
    %mul3A_30 = arith.mulf %max3A_25, %slice3A_29 : vector<1280x128xf32>
    %add3A_31 = arith.addf %get3A_28, %mul3A_30 : vector<1280x128xf32>
    %swap3A = arith.constant 0 : index
    %swap3A_32 = arith.constant 0 : index
    %swap3A_33 = vector.load %arg6[%swap3A, %swap3A_32] : memref<1280x128xf32, #tpu.memory_space<vmem>>, vector<1280x128xf32>
    tpu.vector_store %arg6[%swap3A, %swap3A_32], %add3A_31 {strides = array<i32>} : memref<1280x128xf32, #tpu.memory_space<vmem>>, vector<1280x128xf32>,
    return
  }
  func.func @transform_0(%arg0: i32) -> (i32, i32) {
    %c0_i32 = arith.constant 0 : i32
    %c0_i32_0 = arith.constant 0 : i32
    return %arg0, %c0_i32 : i32, i32
  }
  func.func @transform_1(%arg0: i32) -> (i32, i32, i32) {
    %c0_i32 = arith.constant 0 : i32
    %c0_i32_0 = arith.constant 0 : i32
    %c0_i32_1 = arith.constant 0 : i32
    return %c0_i32, %arg0, %c0_i32_0 : i32, i32, i32
  }
  func.func @transform_2(%arg0: i32) -> (i32, i32) {
    %c0_i32 = arith.constant 0 : i32
    %c0_i32_0 = arith.constant 0 : i32
    return %arg0, %c0_i32 : i32, i32
  }
  func.func @transform_3(%arg0: i32) -> (i32, i32) {
    %c0_i32 = arith.constant 0 : i32
    %c0_i32_0 = arith.constant 0 : i32
    return %arg0, %c0_i32 : i32, i32
  }
  func.func @transform_4(%arg0: i32) -> (i32, i32) {
    %c0_i32 = arith.constant 0 : i32
    %c0_i32_0 = arith.constant 0 : i32
    %c0_i32_1 = arith.constant 0 : i32
    return %c0_i32, %c0_i32_0 : i32, i32
  }
  func.func @transform_5(%arg0: i32) -> (i32, i32) {
    %c0_i32 = arith.constant 0 : i32
    %c0_i32_0 = arith.constant 0 : i32
    return %arg0, %c0_i32 : i32, i32
  }
}

</mosaic_0001>

<sc_bundles>
// kernel: kernel.6.cloned.1.call-start
scs
__scs_entry_jumppad:
0x0: {  	(pc) =	sbr.rel $0x88, $3  }
0x1: {  	(tag) =	ssettag $0x0;
	lr =	simm.s32 $0x1  }
0x2: {  	[smem:$0x3F9D] =	sst lr;
	_ =	strace $0xD0000000  }
0x3: {  	_ = 	snop  }
0x4: {  	_ = 	snop  }
0x5: {  	_ = 	snop  }
0x6: {  	_ = 	snop  }
0x7: {  	_ = 	snop  }
__scs_overlays_trampoline_lowered:
0x8: {  	[smem:$0x3FAC] =	sst s0  }
0x9: {  	[smem:$0x3FAD] =	sst s1  }
0xa: {  	[smem:$0x3FAE] =	sst s2  }
0xb: {  	[smem:$0x3FAF] =	sst s3  }
0xc: {  	[smem:$0x3FB0] =	sst s4  }
0xd: {  	[smem:$0x3FB1] =	sst s5  }
0xe: {  	[smem:$0x3FB2] =	sst s6  }
0xf: {  	[smem:$0x3FB3] =	sst s7  }
0x10: {  	[smem:$0x3FB4] =	sst s8  }
0x11: {  	[smem:$0x3FB5] =	sst s9;
	s0 =	simm.s32 @!p0 $0x0  }
0x12: {  	s1 =	sld [smem:$0x3F9B];
	s0 =	simm.s32 @p0 $0x1  }
0x13: {  	[smem:$0x3FB6] =	sst s0;
	s0 =	simm.s32 @!p1 $0x0  }
0x14: {  	s2 =	sld [smem:$0x3F9A];
	s0 =	simm.s32 @p1 $0x1  }
0x15: {  	[smem:$0x3FB7] =	sst s0;
	s0 =	simm.s32 @!p2 $0x0  }
0x16: {  	s3 =	sld [smem:$0x3FDB];
	s0 =	simm.s32 @p2 $0x1  }
0x17: {  	s4 =	simm.s32 $0x1BF5;
	[smem:$0x3FB9] =	sst s0  }
0x18: {  	s0 =	sld [smem:$0x3F9C];
	_ =	swait.ge [sflag:s4], $0x0  }
0x19: {  	s7 =	sld [smem:$0x3F9D]  }
0x1a: {  	s8 =	sadd.s32 $0xFFFFE003, lr  }
0x1b: {  	s9 =	sadd.s32 $0xFFFFFEF7, lr;
	s5 =	simm.s32 $0xFFFFFFFF;
	p2 =	slt.u32 s8, $0xFFFFF086  }
0x1c: {  	p1 =	slt.u32 s9, $0xF7A;
	s5 =	simm.s32 @!p2 $0x0  }
0x1d: {  	s5 =	simm.s32 @p1 $0x1;
	p0 =	seq.s32 s7, s2  }
0x1e: {  	s7 =	smul.u32 @!p0 $0xF7A, s2;
	p2 =	seq.s32 @!p0 s5, $0x0  }
0x1f: {  	s9 =	smul.u32 $0xF7A, s1;
	s8 =	simm.s32 @!p0 $0x1BF5;
	p2 =	por !p2, p0  }
0x20: {  	[sflag:s8] =	ssyncset.s32 @!p0 $0xFFFFF086;
	s6 =	sadd.s32 @!p0 s3, s7;
	s7 =	simm.s32 @!p0 $0x108  }
0x21: {  	s3 =	sadd.s32 s3, s9;
	s6 =	sadd.s32 @!p0 $0x88, s6;
	s7 =	simm.s32 @p2 $0x1082  }
0x22: {  	[simem:s7], [sflag:s8] =	dma.local @!p0 [hbm:s6], $0xF7A  }
0x23: {  	s9 =	sor.u32 $0xD0000000, s2;
	s6 =	simm.s32 $0x108;
	_ =	swait.ge @!p0 [sflag:s8], $0x0  }
0x24: {  	s3 =	sadd.s32 $0x88, s3;
	s6 =	simm.s32 @!p1 $0x1082;
	[sflag:s4] =	ssyncset.s32 $0xFFFFF086  }
0x25: {  	[simem:s6], [sflag:s4] =	dma.local [hbm:s3], $0xF7A  }
0x26: {  	[smem:$0x3F9D] =	sst s1;
	(tag) =	ssettag s2;
	_ =	strace s9  }
0x27: {  	s1 =	sld [smem:$0x3FAD]  }
0x28: {  	s2 =	sld [smem:$0x3FAE]  }
0x29: {  	s4 =	sld [smem:$0x3FB0]  }
0x2a: {  	p0 =	seq.s32 s5, $0x0;
	s5 =	sld [smem:$0x3FB1]  }
0x2b: {  	s6 =	sld [smem:$0x3FB2]  }
0x2c: {  	s7 =	sld [smem:$0x3FB3]  }
0x2d: {  	s3 =	simm.s32 $0x108;
	s8 =	sld [smem:$0x3FB4]  }
0x2e: {  	s3 =	simm.s32 @!p0 $0x1082;
	s9 =	sld [smem:$0x3FB5]  }
0x2f: {  	lr =	sadd.s32 s0, s3;
	s0 =	sld [smem:$0x3FAC]  }
0x30: {  	s3 =	sld [smem:$0x3FAF]  }
0x31: {  	[smem:$0x3FB8] =	sst s10  }
0x32: {  	s10 =	sld [smem:$0x3FB6];
	_ =	sdelay $0x3  }
0x33: {  	p0 =	seq.s32 s10, $0x1;
	s10 =	sld [smem:$0x3FB8];
	_ =	sdelay $0x3  }
0x34: {  	[smem:$0x3FB8] =	sst s10  }
0x35: {  	s10 =	sld [smem:$0x3FB7];
	_ =	sdelay $0x3  }
0x36: {  	p1 =	seq.s32 s10, $0x1;
	s10 =	sld [smem:$0x3FB8];
	_ =	sdelay $0x3  }
0x37: {  	[smem:$0x3FB8] =	sst s10  }
0x38: {  	s10 =	sld [smem:$0x3FB9]  }
0x39: {  	_ = 	snop;
	(pc) =	sbr.ind lr, $3  }
0x3a: {  	_ = 	snop  }
0x3b: {  	_ = 	snop  }
0x3c: {  	p2 =	seq.s32 s10, $0x1;
	s10 =	sld [smem:$0x3FB8]  }
0x3d: {  	_ =	shalt  }
0x3e: {  	_ =	shalt  }
0x3f: {  	_ =	shalt  }
0x40: {  	_ =	shalt  }
0x41: {  	_ =	shalt  }
0x42: {  	_ =	shalt  }
0x43: {  	_ =	shalt  }
0x44: {  	_ =	shalt  }
0x45: {  	_ =	shalt  }
0x46: {  	_ =	shalt  }
0x47: {  	_ =	shalt  }
0x48: {  	_ =	shalt  }
0x49: {  	_ =	shalt  }
0x4a: {  	_ =	shalt  }
0x4b: {  	_ =	shalt  }
0x4c: {  	_ =	shalt  }
0x4d: {  	_ =	shalt  }
0x4e: {  	_ =	shalt  }
0x4f: {  	_ =	shalt  }
0x50: {  	_ =	shalt  }
0x51: {  	_ =	shalt  }
0x52: {  	_ =	shalt  }
0x53: {  	_ =	shalt  }
0x54: {  	_ =	shalt  }
0x55: {  	_ =	shalt  }
0x56: {  	_ =	shalt  }
0x57: {  	_ =	shalt  }
0x58: {  	_ =	shalt  }
0x59: {  	_ =	shalt  }
0x5a: {  	_ =	shalt  }
0x5b: {  	_ =	shalt  }
0x5c: {  	_ =	shalt  }
0x5d: {  	_ =	shalt  }
0x5e: {  	_ =	shalt  }
0x5f: {  	_ =	shalt  }
0x60: {  	_ =	shalt  }
0x61: {  	_ =	shalt  }
0x62: {  	_ =	shalt  }
0x63: {  	_ =	shalt  }
0x64: {  	_ =	shalt  }
0x65: {  	_ =	shalt  }
0x66: {  	_ =	shalt  }
0x67: {  	_ =	shalt  }
0x68: {  	_ =	shalt  }
0x69: {  	_ =	shalt  }
0x6a: {  	_ =	shalt  }
0x6b: {  	_ =	shalt  }
0x6c: {  	_ =	shalt  }
0x6d: {  	_ =	shalt  }
0x6e: {  	_ =	shalt  }
0x6f: {  	_ =	shalt  }
0x70: {  	_ =	shalt  }
0x71: {  	_ =	shalt  }
0x72: {  	_ =	shalt  }
0x73: {  	_ =	shalt  }
0x74: {  	_ =	shalt  }
0x75: {  	_ =	shalt  }
0x76: {  	_ =	shalt  }
0x77: {  	_ =	shalt  }
0x78: {  	_ =	shalt  }
0x79: {  	_ =	shalt  }
0x7a: {  	_ =	shalt  }
0x7b: {  	_ =	shalt  }
0x7c: {  	_ =	shalt  }
0x7d: {  	_ =	shalt  }
0x7e: {  	_ =	shalt  }
0x7f: {  	_ =	shalt  }
0x80: {  	_ =	shalt  }
0x81: {  	_ =	shalt  }
0x82: {  	_ =	shalt  }
0x83: {  	_ =	shalt  }
0x84: {  	_ =	shalt  }
0x85: {  	_ =	shalt  }
0x86: {  	_ =	shalt  }
0x87: {  	_ =	shalt  }
.Lfunc_end0:
.L_simem_size_0:
called_computation_lowered:
.L_overlay_start_0:
0x88: {  	s2 =	sld [smem:$0x3FD9]  }
0x89: {  	s3 =	sld [smem:$0x3FFE];
	_ =	sdelay $0x1  }
0x8a: {  	s1 =	srdreg.scid  }
0x8b: {  	s0 =	sand.u32 $0x1, s1  }
0x8c: {  	s14 =	sshll.u32 s0, $0xA;
	s2 =	sadd.s32 s3, s2  }
0x8d: {  	s2 =	sadd.s32 s2, s14  }
0x8e: {  	[smem:$0x3FC4] =	sst s2  }
0x8f: {  	_ = 	snop  }
0x90: {  	s2 =	sld [smem:$0x3FD0];
	_ =	sdelay $0x2  }
0x91: {  	s15 =	simm.s32 $0xA;
	s4 =	simm.s32 $0x10  }
0x92: {  	[smem:s4], [sflag:s15] =	dma.local [hbm:s2], $0x1  }
0x93: {  	_ =	swait.eq [sflag:s15], $0x1  }
0x94: {  	[sflag:s15] =	ssyncset.done $0x0  }
0x95: {  	s16 =	sld [smem:$0x10];
	[sflag:s15] =	ssyncadd.s32 $0xFFFFFFFF  }
0x96: {  	s17 =	sld [smem:$0x11];
	(tm) =	ssettm $0x1  }
0x97: {  	s18 =	sld [smem:$0x3FFB];
	_ =	sdelay $0x3  }
0x98: {  	_ =	strace s18  }
0x99: {  	s4 =	sld [smem:$0x3FFC];
	_ =	sdelay $0x3  }
0x9a: {  	_ =	strace s4  }
0x9b: {  	s4 =	sld [smem:$0x3FFD];
	_ =	sdelay $0x3  }
0x9c: {  	_ =	strace s4  }
0x9d: {  	_ =	strace $0x8FFFFFFF  }
0x9e: {  	s19 =	sld [smem:$0x3FDB];
	_ =	sdelay $0x1  }
0x9f: {  	s5 =	simm.s32 $_scs_section_size  }
0xa0: {  	s6 =	simm.s32 $_size__tile_overlayer_lowered;
	s7 =	simm.s32 $_tile_overlayer_lowered  }
0xa1: {  	s22 =	simm.s32 $0x1BFF;
	s21 =	sshll.u32 s7, $0x1;
	s4 =	sadd.s32 s5, s19  }
0xa2: {  	s8 =	simm.s32 $0x0;
	s20 =	sshll.u32 s6, $0x1;
	s6 =	sadd.s32 s21, s4  }
0xa3: {  	[timem:s8], [sflag:s22] =	dma.local [hbm:s6], s20  }
0xa4: {  	_ =	swait.ge [sflag:s22], s20  }
0xa5: {  	s5 =	ssub.s32 $0x0, s20;
	[sflag:s22] =	ssyncset.done $0x0  }
0xa6: {  	[sflag:s22] =	ssyncadd.s32 s5;
	_ =	sdelay $0x1  }
0xa7: {  	s23 =	simm.s32 $0x1B8B  }
0xa8: {  	_ =	swait.ge [sflag:s23], $0x1  }
0xa9: {  	[sflag:s23] =	ssyncset.done $0x0  }
0xaa: {  	s25 =	simm.s32 $0x1B8E;
	s24 =	sld [smem:$0x3FFE];
	[sflag:s23] =	ssyncadd.s32 $0xFFFFFFFF  }
0xab: {  	s26 =	simm.s32 $execute0_lowered;
	[smem:$0x3FD2] =	sst s25  }
0xac: {  	s6 =	sshll.u32 s26, $0x1;
	_ =	strace $0x80000046;
	[dreg:$0x1] =	wrdreg $0xFFFFFFFF  }
0xad: {  	s28 =	simm.s32 $_size_execute0_lowered;
	s4 =	sadd.s32 s4, s6;
	[dreg:$0x0] =	wrdreg $0x0  }
0xae: {  	s6 =	sshll.u32 s28, $0x1;
	[dreg:$0x2] =	wrdreg s4  }
0xaf: {  	[dreg:$0x3] =	wrdreg s6  }
0xb0: {  	[dreg:$0x4] =	wrdreg $0xC0  }
0xb1: {  	_ =	task [dreg:s8], $0x5FFFF  }
0xb2: {  	[dreg:$0x1] =	wrdreg $0xFFFFFFFF  }
0xb3: {  	[dreg:$0x0] =	wrdreg $0x60  }
0xb4: {  	[dreg:$0x2] =	wrdreg s16  }
0xb5: {  	[dreg:$0x3] =	wrdreg s17  }
0xb6: {  	[dreg:$0x4] =	wrdreg s24  }
0xb7: {  	[dreg:$0x5] =	wrdreg $0x53000  }
0xb8: {  	[dreg:$0x6] =	wrdreg $0x55800  }
0xb9: {  	[dreg:$0x7] =	wrdreg $0x9  }
0xba: {  	_ =	task.clear_ibuf [dreg:s8], $0x8FFFF;
	_ =	strace $0x90000046  }
0xbb: {  	s29 =	simm.s32 $0x9;
	_ =	strace $0x80000048  }
0xbc: {  	_ =	swait.ge [sflag:s29], $0x1  }
0xbd: {  	[sflag:s29] =	ssyncadd.s32 $0xFFFFFFFF  }
0xbe: {  	_ =	strace $0x90000048  }
0xbf: {  	_ =	sfence  }
0xc0: {  	s30 =	sld [smem:$0x0];
	_ =	sdelay $0x2  }
0xc1: {  	s31 =	sshll.u32 s1, $0xD;
	s1 =	sshrl.u32 s1, $0x2  }
0xc2: {  	s3 =	sand.u32 $0x4000, s31;
	s1 =	sadd.s32 s1, s30  }
0xc3: {  	s0 =	sor.u32 s3, s0;
	s1 =	sshll.u32 s1, $0x11  }
0xc4: {  	s0 =	sor.u32 s1, s0  }
0xc5: {  	s0 =	sadd.s32 $0x8F2B, s0  }
0xc6: {  	[sflag:s0] =	ssyncadd.remote.s32 $0x1  }
0xc7: {  	_ =	sfence.sel $0xFFFF  }
0xc8: {  	[dreg:$0x0] =	wrdreg $0xFFFFFFFF;
	(pc) =	sbr.abs _section_cstart, $3  }
0xc9: {  	[dreg:$0x1] =	wrdreg $0xFFFFFFFF  }
0xca: {  	_ =	task.clear_ibuf [dreg:s8], $0x2FFFF;
	_ =	strace $0x9FFFFFFF  }
0xcb: {  	(tm) =	ssettm $0x7FFFFFFF  }
tec
execute0_lowered:
.L_overlay_start_1:
0x0: {  	(tag) =	ssettag $0x1  }
0x1: {  	s7 =	rddreg [dreg:$0x0]  }
0x2: {  	s8 =	rddreg [dreg:$0x1]  }
0x3: {  	s5 =	rddreg [dreg:$0x2]  }
0x4: {  	s2 =	rddreg [dreg:$0x3]  }
0x5: {  	s3 =	rddreg [dreg:$0x4]  }
0x6: {  	s0 =	srdreg.scid;
	s1 =	rddreg [dreg:$0x5];
	s4 =	simm.s32 $0x0  }
0x7: {  	s13 =	simm.s32 $0x1;
	s14 =	simm.s32 $0x2800;
	s15 =	simm.s32 $0x80  }
0x8: {  	s16 =	simm.s32 $0x5000;
	s6 =	sand.u32 $0x1, s0;
	s0 =	stileid.u32  }
0x9: {  	s17 =	simm.s32 $0x100;
	[smem:$0x7FF] =	sst s4;
	s9 =	smul.u32 $0x5000, s6  }
0xa: {  	s18 =	simm.s32 $0x0;
	s10 =	smul.u32 $0x500, s0;
	_ =	strace $0x80000047  }
0xb: {  	s28 =	sshll.u32 s0, $0x1;
	s11 =	ssub.s32 $0x2, s6;
	s12 =	smul.u32 $0x280, s0  }
0xc: {  	s6 =	sor.u32 s6, s28;
	s30 =	sshrl.u32 s11, $0x1;
	s9 =	sadd.s32 s10, s9  }
0xd: {  	s31 =	smul.u32 $0x500, s6;
	s11 =	ssub.s32 s11, s30;
	s9 =	sshrl.u32 s9, $0x3  }
0xe: {  	s6 =	sadd.s32 s12, s3;
	s11 =	smax.u32 s11, $0x1;
	s29 =	sadd.s32 s9, s5  }
0xf: {  	s5 =	sadd.s32 s12, s2;
	s7 =	sadd.s32 s7, s31;
	s8 =	sadd.s32 s8, s31  }
0x10: {  	v0 =	vimm.f32 $0.0e+00;
	v1 =	vimm.f32 $1.000000000e+00;
	s12 =	simm.s32 $0x5080;
	s9 =	sadd.s32 $0x1400, s29;
	s10 =	sadd.s32 $0x1410, s29  }
.LBB2_1:
0x11: {  	[tilespmem:$0x5080] =	vst v0  }
0x12: {  	[tilespmem:$0x5090] =	vst v0  }
0x13: {  	[tilespmem:$0x50A0] =	vst v0  }
0x14: {  	[tilespmem:$0x50B0] =	vst v0  }
0x15: {  	[tilespmem:$0x50C0] =	vst v0  }
0x16: {  	[tilespmem:$0x50D0] =	vst v0  }
0x17: {  	[tilespmem:$0x50E0] =	vst v0  }
0x18: {  	[tilespmem:$0x50F0] =	vst v0  }
0x19: {  	[tilespmem:$0x5100] =	vst v0  }
0x1a: {  	[tilespmem:$0x5110] =	vst v0  }
0x1b: {  	[tilespmem:$0x5120] =	vst v0  }
0x1c: {  	[tilespmem:$0x5130] =	vst v0  }
0x1d: {  	[tilespmem:$0x5140] =	vst v0  }
0x1e: {  	[tilespmem:$0x5150] =	vst v0  }
0x1f: {  	[tilespmem:$0x5160] =	vst v0  }
0x20: {  	[tilespmem:$0x5170] =	vst v0  }
0x21: {  	[tilespmem:$0x5180] =	vst v0  }
0x22: {  	[tilespmem:$0x5190] =	vst v0  }
0x23: {  	[tilespmem:$0x51A0] =	vst v0  }
0x24: {  	[tilespmem:$0x51B0] =	vst v0  }
0x25: {  	[tilespmem:$0x51C0] =	vst v0  }
0x26: {  	[tilespmem:$0x51D0] =	vst v0  }
0x27: {  	[tilespmem:$0x51E0] =	vst v0  }
0x28: {  	[tilespmem:$0x51F0] =	vst v0  }
0x29: {  	[tilespmem:$0x5200] =	vst v0  }
0x2a: {  	[tilespmem:$0x5210] =	vst v0  }
0x2b: {  	[tilespmem:$0x5220] =	vst v0  }
0x2c: {  	[tilespmem:$0x5230] =	vst v0  }
0x2d: {  	[tilespmem:$0x5240] =	vst v0  }
0x2e: {  	[tilespmem:$0x5250] =	vst v0  }
0x2f: {  	[tilespmem:$0x5260] =	vst v0  }
0x30: {  	[tilespmem:$0x5270] =	vst v0  }
0x31: {  	[tilespmem:$0x5280] =	vst v0  }
0x32: {  	[tilespmem:$0x5290] =	vst v0  }
0x33: {  	[tilespmem:$0x52A0] =	vst v0  }
0x34: {  	[tilespmem:$0x52B0] =	vst v0  }
0x35: {  	[tilespmem:$0x52C0] =	vst v0  }
0x36: {  	[tilespmem:$0x52D0] =	vst v0  }
0x37: {  	[tilespmem:$0x52E0] =	vst v0  }
0x38: {  	[tilespmem:$0x52F0] =	vst v0  }
0x39: {  	[tilespmem:$0x5000] =	vst v1  }
0x3a: {  	[tilespmem:$0x5010] =	vst v1  }
0x3b: {  	[tilespmem:$0x5020] =	vst v1  }
0x3c: {  	[tilespmem:$0x5030] =	vst v1  }
0x3d: {  	[tilespmem:$0x5040] =	vst v1  }
0x3e: {  	[tilespmem:$0x5050] =	vst v1  }
0x3f: {  	[tilespmem:$0x5060] =	vst v1  }
0x40: {  	[tilespmem:$0x5070] =	vst v1  }
0x41: {  	[spmem:s5] =	stream.linear.scatter [tilespmem:s12], [sflag:$0x1], $0x280, $0x38;
	[tilespmem:$0x5800] =	vst v63  }
0x42: {  	_ =	swait.ge [sflag:s13], $0x280  }
0x43: {  	[sflag:s13] =	ssyncset.done $0x0  }
0x44: {  	[sflag:s13] =	ssyncadd.s32 $0xFFFFFD80  }
0x45: {  	[spmem:s6] =	stream.linear.scatter [tilespmem:s12], [sflag:$0x1], $0x280, $0x38;
	[tilespmem:$0x5800] =	vst v63  }
0x46: {  	_ =	swait.ge [sflag:s13], $0x280  }
0x47: {  	[sflag:s13] =	ssyncset.done $0x0  }
0x48: {  	[sflag:s13] =	ssyncadd.s32 $0xFFFFFD80  }
0x49: {  	[bflag:$0x0] =	sbarrier.arrive $0xFFFF  }
0x4a: {  	[tilespmem:s4], [sflag:$0x1] =	stream.linear.gather [hbm4b:s7+s4], $0x2800, $0x38;
	[tilespmem:$0x5800] =	vst v63  }
0x4b: {  	_ =	swait.ge [sflag:s13], $0x2800  }
0x4c: {  	[sflag:s13] =	ssyncset.done $0x0  }
0x4d: {  	[sflag:s13] =	ssyncadd.s32 $0xFFFFD800  }
0x4e: {  	[tilespmem:s14], [sflag:$0x1] =	stream.linear.gather [hbm4b:s8+s4], $0x2800, $0x38;
	[tilespmem:$0x5800] =	vst v63  }
0x4f: {  	_ =	swait.ge [sflag:s13], $0x2800  }
0x50: {  	[sflag:s13] =	ssyncset.done $0x0  }
0x51: {  	s19 =	simm.s32 $0x0;
	[sflag:s13] =	ssyncadd.s32 $0xFFFFD800  }
0x52: {  	[spmem:s2] =	stream.indirect.scatter.add.f32 [tilespmem:s16], [sflag:$0x1], $0x1, s19, s15, $0xb8;
	[tilespmem:$0x5800] =	vst v63  }
0x53: {  	_ =	swait.ge [sflag:s13], $0x80  }
0x54: {  	[sflag:s13] =	ssyncset.done $0x0  }
0x55: {  	s31 =	simm.s32 $0x2800;
	[sflag:s13] =	ssyncadd.s32 $0xFFFFFF80  }
0x56: {  	[spmem:s3] =	stream.indirect.scatter.add.f32 [tilespmem:s16], [sflag:$0x1], $0x1, s31, s15, $0xb8;
	[tilespmem:$0x5800] =	vst v63  }
0x57: {  	_ =	swait.ge [sflag:s13], $0x80  }
0x58: {  	s20 =	simm.s32 $0x400;
	s19 =	simm.s32 $0x200;
	[sflag:s13] =	ssyncset.done $0x0  }
.LBB2_2:
0x59: {  	s21 =	sshra.s32 s19, $0x2  }
0x5a: {  	[sflag:s13] =	ssyncadd.s32 $0xFFFFFF80;
	s19 =	smov.u32 s20;
	s22 =	sadd.s32 $0x200, s20  }
0x5b: {  	[spmem:s2] =	stream.indirect.scatter.add.f32 [tilespmem:s16], [sflag:$0x1], $0x1, s21, s15, $0xb8;
	[tilespmem:$0x5800] =	vst v63  }
0x5c: {  	p0 =	sne.s32 s20, $0x9E00;
	_ =	swait.ge [sflag:s13], $0x80  }
.Ltmp0:
0x5d: {  	[sflag:s13] =	ssyncset.done $0x0;
	(pc) =	sbr.rel @p0 .LBB2_2-.Ltmp0, $4  }
0x5e: {  	s20 =	sadd.s32 $0x2800, s21;
	[sflag:s13] =	ssyncadd.s32 $0xFFFFFF80  }
0x5f: {  	[spmem:s3] =	stream.indirect.scatter.add.f32 [tilespmem:s16], [sflag:$0x1], $0x1, s20, s15, $0xb8;
	[tilespmem:$0x5800] =	vst v63  }
0x60: {  	_ =	swait.ge [sflag:s13], $0x80  }
0x61: {  	s20 =	smov.u32 s22;
	[sflag:s13] =	ssyncset.done $0x0  }
0x62: {  	s19 =	sshra.s32 s19, $0x2;
	[sflag:s13] =	ssyncadd.s32 $0xFFFFFF80  }
0x63: {  	[spmem:s2] =	stream.indirect.scatter.add.f32 [tilespmem:s16], [sflag:$0x1], $0x1, s19, s15, $0xb8;
	[tilespmem:$0x5800] =	vst v63  }
0x64: {  	_ =	swait.ge [sflag:s13], $0x80  }
0x65: {  	[sflag:s13] =	ssyncset.done $0x0  }
0x66: {  	s19 =	sadd.s32 $0x2800, s19;
	[sflag:s13] =	ssyncadd.s32 $0xFFFFFF80  }
0x67: {  	[spmem:s3] =	stream.indirect.scatter.add.f32 [tilespmem:s16], [sflag:$0x1], $0x1, s19, s15, $0xb8;
	[tilespmem:$0x5800] =	vst v63  }
0x68: {  	_ =	swait.ge [sflag:s13], $0x80  }
0x69: {  	[sflag:s13] =	ssyncset.done $0x0  }
0x6a: {  	[sflag:s13] =	ssyncadd.s32 $0xFFFFFF80  }
0x6b: {  	[bflag:$0x0] =	sbarrier.arrive $0xFFFF  }
0x6c: {  	[tilespmem:s12], [sflag:$0x1] =	stream.linear.gather [spmem:s5], $0x280, $0x38;
	[tilespmem:$0x5800] =	vst v63  }
0x6d: {  	_ =	swait.ge [sflag:s13], $0x280  }
0x6e: {  	[sflag:s13] =	ssyncset.done $0x0  }
0x6f: {  	[sflag:s13] =	ssyncadd.s32 $0xFFFFFD80  }
0x70: {  	[hbm4b:s9+s15] =	stream.strided.scatter [tilespmem:s12], [sflag:$0x1], $0x280, s17, s15, $0x38;
	[tilespmem:$0x5800] =	vst v63  }
0x71: {  	_ =	swait.ge [sflag:s13], $0x280  }
0x72: {  	[sflag:s13] =	ssyncset.done $0x0  }
0x73: {  	[sflag:s13] =	ssyncadd.s32 $0xFFFFFD80  }
0x74: {  	[tilespmem:s12], [sflag:$0x1] =	stream.linear.gather [spmem:s6], $0x280, $0x38;
	[tilespmem:$0x5800] =	vst v63  }
0x75: {  	s18 =	sadd.s32 $0x1, s18;
	_ =	swait.ge [sflag:s13], $0x280  }
0x76: {  	p0 =	sne.s32 s18, s11;
	[sflag:s13] =	ssyncset.done $0x0  }
.Ltmp1:
0x77: {  	[sflag:s13] =	ssyncadd.s32 $0xFFFFFD80;
	(pc) =	sbr.rel @p0 .LBB2_1-.Ltmp1, $4  }
0x78: {  	[hbm4b:s10+s15] =	stream.strided.scatter [tilespmem:s12], [sflag:$0x1], $0x280, s17, s15, $0x38;
	[tilespmem:$0x5800] =	vst v63  }
0x79: {  	_ =	swait.ge [sflag:s13], $0x280  }
0x7a: {  	[sflag:s13] =	ssyncset.done $0x0  }
0x7b: {  	[sflag:s13] =	ssyncadd.s32 $0xFFFFFD80  }
0x7c: {  	_ =	sfence.sel $0x180000  }
0x7d: {  	[bflag:$0x0] =	sbarrier.arrive $0xFFFF  }
0x7e: {  	p0 =	sne.s32 s0, $0x0;
	_ =	strace $0x90000047  }
0x7f: {  	s0 =	sadd.s32 @!p0 $0x100000, s1;
	[bflag:$0x2] =	sbarrier.arrive $0xFFFF  }
0x80: {  	[sflag:s0] =	ssyncadd.tile.s32 @!p0 $0x1;
	_ =	shalt  }
.Lfunc_end2:
_tile_overlayer_lowered:
.L_overlay_start_2:
0x81: {  	(tag) =	ssettag $0x2  }
0x82: {  	s0 =	rddreg [dreg:$0x0];
	s2 =	stileid.u32  }
0x83: {  	s1 =	rddreg [dreg:$0x1];
	p0 =	sne.s32 s2, $0x0  }
0x84: {  	s3 =	rddreg [dreg:$0x2];
	[bflag:$0x3] =	sbarrier.arrive $0xFFFF;
	s2 =	simm.s32 @!p0 $0x1C01  }
0x85: {  	[timem:s3], [sflag:s2] =	dma.local @!p0 [hbm:s0], s1  }
0x86: {  	s0 =	simm.s32 @!p0 $0x1  }
0x87: {  	_ =	swait.ge @!p0 [sflag:s0], s1  }
0x88: {  	s1 =	ssub.s32 @!p0 $0x0, s1;
	[sflag:s0] =	ssyncset.done @!p0 $0x0  }
0x89: {  	[sflag:s0] =	ssyncadd.s32 @!p0 s1  }
0x8a: {  	[bflag:$0x3] =	sbarrier.arrive $0xFFFF  }
0x8b: {  	_ =	shalt  }

// kernel: kernel.9.cloned.1.call-start
scs
__scs_entry_jumppad:
0x0: {  	(pc) =	sbr.rel $0x88, $3  }
0x1: {  	(tag) =	ssettag $0x0;
	lr =	simm.s32 $0x1  }
0x2: {  	[smem:$0x3F9D] =	sst lr;
	_ =	strace $0xD0000000  }
0x3: {  	_ = 	snop  }
0x4: {  	_ = 	snop  }
0x5: {  	_ = 	snop  }
0x6: {  	_ = 	snop  }
0x7: {  	_ = 	snop  }
__scs_overlays_trampoline_lowered:
0x8: {  	[smem:$0x3FAC] =	sst s0  }
0x9: {  	[smem:$0x3FAD] =	sst s1  }
0xa: {  	[smem:$0x3FAE] =	sst s2  }
0xb: {  	[smem:$0x3FAF] =	sst s3  }
0xc: {  	[smem:$0x3FB0] =	sst s4  }
0xd: {  	[smem:$0x3FB1] =	sst s5  }
0xe: {  	[smem:$0x3FB2] =	sst s6  }
0xf: {  	[smem:$0x3FB3] =	sst s7  }
0x10: {  	[smem:$0x3FB4] =	sst s8  }
0x11: {  	[smem:$0x3FB5] =	sst s9;
	s0 =	simm.s32 @!p0 $0x0  }
0x12: {  	s1 =	sld [smem:$0x3F9B];
	s0 =	simm.s32 @p0 $0x1  }
0x13: {  	[smem:$0x3FB6] =	sst s0;
	s0 =	simm.s32 @!p1 $0x0  }
0x14: {  	s2 =	sld [smem:$0x3F9A];
	s0 =	simm.s32 @p1 $0x1  }
0x15: {  	[smem:$0x3FB7] =	sst s0;
	s0 =	simm.s32 @!p2 $0x0  }
0x16: {  	s3 =	sld [smem:$0x3FDB];
	s0 =	simm.s32 @p2 $0x1  }
0x17: {  	s4 =	simm.s32 $0x1BF5;
	[smem:$0x3FB9] =	sst s0  }
0x18: {  	s0 =	sld [smem:$0x3F9C];
	_ =	swait.ge [sflag:s4], $0x0  }
0x19: {  	s7 =	sld [smem:$0x3F9D]  }
0x1a: {  	s8 =	sadd.s32 $0xFFFFE003, lr  }
0x1b: {  	s9 =	sadd.s32 $0xFFFFFEF7, lr;
	s5 =	simm.s32 $0xFFFFFFFF;
	p2 =	slt.u32 s8, $0xFFFFF086  }
0x1c: {  	p1 =	slt.u32 s9, $0xF7A;
	s5 =	simm.s32 @!p2 $0x0  }
0x1d: {  	s5 =	simm.s32 @p1 $0x1;
	p0 =	seq.s32 s7, s2  }
0x1e: {  	s7 =	smul.u32 @!p0 $0xF7A, s2;
	p2 =	seq.s32 @!p0 s5, $0x0  }
0x1f: {  	s9 =	smul.u32 $0xF7A, s1;
	s8 =	simm.s32 @!p0 $0x1BF5;
	p2 =	por !p2, p0  }
0x20: {  	[sflag:s8] =	ssyncset.s32 @!p0 $0xFFFFF086;
	s6 =	sadd.s32 @!p0 s3, s7;
	s7 =	simm.s32 @!p0 $0x108  }
0x21: {  	s3 =	sadd.s32 s3, s9;
	s6 =	sadd.s32 @!p0 $0x88, s6;
	s7 =	simm.s32 @p2 $0x1082  }
0x22: {  	[simem:s7], [sflag:s8] =	dma.local @!p0 [hbm:s6], $0xF7A  }
0x23: {  	s9 =	sor.u32 $0xD0000000, s2;
	s6 =	simm.s32 $0x108;
	_ =	swait.ge @!p0 [sflag:s8], $0x0  }
0x24: {  	s3 =	sadd.s32 $0x88, s3;
	s6 =	simm.s32 @!p1 $0x1082;
	[sflag:s4] =	ssyncset.s32 $0xFFFFF086  }
0x25: {  	[simem:s6], [sflag:s4] =	dma.local [hbm:s3], $0xF7A  }
0x26: {  	[smem:$0x3F9D] =	sst s1;
	(tag) =	ssettag s2;
	_ =	strace s9  }
0x27: {  	s1 =	sld [smem:$0x3FAD]  }
0x28: {  	s2 =	sld [smem:$0x3FAE]  }
0x29: {  	s4 =	sld [smem:$0x3FB0]  }
0x2a: {  	p0 =	seq.s32 s5, $0x0;
	s5 =	sld [smem:$0x3FB1]  }
0x2b: {  	s6 =	sld [smem:$0x3FB2]  }
0x2c: {  	s7 =	sld [smem:$0x3FB3]  }
0x2d: {  	s3 =	simm.s32 $0x108;
	s8 =	sld [smem:$0x3FB4]  }
0x2e: {  	s3 =	simm.s32 @!p0 $0x1082;
	s9 =	sld [smem:$0x3FB5]  }
0x2f: {  	lr =	sadd.s32 s0, s3;
	s0 =	sld [smem:$0x3FAC]  }
0x30: {  	s3 =	sld [smem:$0x3FAF]  }
0x31: {  	[smem:$0x3FB8] =	sst s10  }
0x32: {  	s10 =	sld [smem:$0x3FB6];
	_ =	sdelay $0x3  }
0x33: {  	p0 =	seq.s32 s10, $0x1;
	s10 =	sld [smem:$0x3FB8];
	_ =	sdelay $0x3  }
0x34: {  	[smem:$0x3FB8] =	sst s10  }
0x35: {  	s10 =	sld [smem:$0x3FB7];
	_ =	sdelay $0x3  }
0x36: {  	p1 =	seq.s32 s10, $0x1;
	s10 =	sld [smem:$0x3FB8];
	_ =	sdelay $0x3  }
0x37: {  	[smem:$0x3FB8] =	sst s10  }
0x38: {  	s10 =	sld [smem:$0x3FB9]  }
0x39: {  	_ = 	snop;
	(pc) =	sbr.ind lr, $3  }
0x3a: {  	_ = 	snop  }
0x3b: {  	_ = 	snop  }
0x3c: {  	p2 =	seq.s32 s10, $0x1;
	s10 =	sld [smem:$0x3FB8]  }
0x3d: {  	_ =	shalt  }
0x3e: {  	_ =	shalt  }
0x3f: {  	_ =	shalt  }
0x40: {  	_ =	shalt  }
0x41: {  	_ =	shalt  }
0x42: {  	_ =	shalt  }
0x43: {  	_ =	shalt  }
0x44: {  	_ =	shalt  }
0x45: {  	_ =	shalt  }
0x46: {  	_ =	shalt  }
0x47: {  	_ =	shalt  }
0x48: {  	_ =	shalt  }
0x49: {  	_ =	shalt  }
0x4a: {  	_ =	shalt  }
0x4b: {  	_ =	shalt  }
0x4c: {  	_ =	shalt  }
0x4d: {  	_ =	shalt  }
0x4e: {  	_ =	shalt  }
0x4f: {  	_ =	shalt  }
0x50: {  	_ =	shalt  }
0x51: {  	_ =	shalt  }
0x52: {  	_ =	shalt  }
0x53: {  	_ =	shalt  }
0x54: {  	_ =	shalt  }
0x55: {  	_ =	shalt  }
0x56: {  	_ =	shalt  }
0x57: {  	_ =	shalt  }
0x58: {  	_ =	shalt  }
0x59: {  	_ =	shalt  }
0x5a: {  	_ =	shalt  }
0x5b: {  	_ =	shalt  }
0x5c: {  	_ =	shalt  }
0x5d: {  	_ =	shalt  }
0x5e: {  	_ =	shalt  }
0x5f: {  	_ =	shalt  }
0x60: {  	_ =	shalt  }
0x61: {  	_ =	shalt  }
0x62: {  	_ =	shalt  }
0x63: {  	_ =	shalt  }
0x64: {  	_ =	shalt  }
0x65: {  	_ =	shalt  }
0x66: {  	_ =	shalt  }
0x67: {  	_ =	shalt  }
0x68: {  	_ =	shalt  }
0x69: {  	_ =	shalt  }
0x6a: {  	_ =	shalt  }
0x6b: {  	_ =	shalt  }
0x6c: {  	_ =	shalt  }
0x6d: {  	_ =	shalt  }
0x6e: {  	_ =	shalt  }
0x6f: {  	_ =	shalt  }
0x70: {  	_ =	shalt  }
0x71: {  	_ =	shalt  }
0x72: {  	_ =	shalt  }
0x73: {  	_ =	shalt  }
0x74: {  	_ =	shalt  }
0x75: {  	_ =	shalt  }
0x76: {  	_ =	shalt  }
0x77: {  	_ =	shalt  }
0x78: {  	_ =	shalt  }
0x79: {  	_ =	shalt  }
0x7a: {  	_ =	shalt  }
0x7b: {  	_ =	shalt  }
0x7c: {  	_ =	shalt  }
0x7d: {  	_ =	shalt  }
0x7e: {  	_ =	shalt  }
0x7f: {  	_ =	shalt  }
0x80: {  	_ =	shalt  }
0x81: {  	_ =	shalt  }
0x82: {  	_ =	shalt  }
0x83: {  	_ =	shalt  }
0x84: {  	_ =	shalt  }
0x85: {  	_ =	shalt  }
0x86: {  	_ =	shalt  }
0x87: {  	_ =	shalt  }
.Lfunc_end0:
.L_simem_size_0:
called_computation.1_lowered:
.L_overlay_start_0:
0x88: {  	s2 =	sld [smem:$0x3FD9]  }
0x89: {  	s3 =	sld [smem:$0x3FFE];
	_ =	sdelay $0x1  }
0x8a: {  	s1 =	srdreg.scid  }
0x8b: {  	s0 =	sand.u32 $0x1, s1  }
0x8c: {  	s14 =	sshll.u32 s0, $0xA;
	s2 =	sadd.s32 s3, s2  }
0x8d: {  	s2 =	sadd.s32 s2, s14  }
0x8e: {  	[smem:$0x3FC4] =	sst s2  }
0x8f: {  	_ = 	snop  }
0x90: {  	s2 =	sld [smem:$0x3FD0];
	_ =	sdelay $0x2  }
0x91: {  	s15 =	simm.s32 $0xA;
	s4 =	simm.s32 $0x10  }
0x92: {  	[smem:s4], [sflag:s15] =	dma.local [hbm:s2], $0x1  }
0x93: {  	_ =	swait.eq [sflag:s15], $0x1  }
0x94: {  	[sflag:s15] =	ssyncset.done $0x0  }
0x95: {  	s16 =	sld [smem:$0x10];
	[sflag:s15] =	ssyncadd.s32 $0xFFFFFFFF  }
0x96: {  	s17 =	sld [smem:$0x11];
	(tm) =	ssettm $0x1  }
0x97: {  	s18 =	sld [smem:$0x3FFB];
	_ =	sdelay $0x3  }
0x98: {  	_ =	strace s18  }
0x99: {  	s4 =	sld [smem:$0x3FFC];
	_ =	sdelay $0x3  }
0x9a: {  	_ =	strace s4  }
0x9b: {  	s4 =	sld [smem:$0x3FFD];
	_ =	sdelay $0x3  }
0x9c: {  	_ =	strace s4  }
0x9d: {  	_ =	strace $0x8FFFFFFF  }
0x9e: {  	s19 =	sld [smem:$0x3FDB];
	_ =	sdelay $0x1  }
0x9f: {  	s5 =	simm.s32 $_scs_section_size  }
0xa0: {  	s6 =	simm.s32 $_size__tile_overlayer_lowered;
	s7 =	simm.s32 $_tile_overlayer_lowered  }
0xa1: {  	s22 =	simm.s32 $0x1BFF;
	s21 =	sshll.u32 s7, $0x1;
	s4 =	sadd.s32 s5, s19  }
0xa2: {  	s8 =	simm.s32 $0x0;
	s20 =	sshll.u32 s6, $0x1;
	s6 =	sadd.s32 s21, s4  }
0xa3: {  	[timem:s8], [sflag:s22] =	dma.local [hbm:s6], s20  }
0xa4: {  	_ =	swait.ge [sflag:s22], s20  }
0xa5: {  	s5 =	ssub.s32 $0x0, s20;
	[sflag:s22] =	ssyncset.done $0x0  }
0xa6: {  	[sflag:s22] =	ssyncadd.s32 s5;
	_ =	sdelay $0x1  }
0xa7: {  	s23 =	simm.s32 $0x1B8B  }
0xa8: {  	_ =	swait.ge [sflag:s23], $0x1  }
0xa9: {  	[sflag:s23] =	ssyncset.done $0x0  }
0xaa: {  	s25 =	simm.s32 $0x1B8E;
	s24 =	sld [smem:$0x3FFE];
	[sflag:s23] =	ssyncadd.s32 $0xFFFFFFFF  }
0xab: {  	s26 =	simm.s32 $execute0_lowered;
	[smem:$0x3FD2] =	sst s25  }
0xac: {  	s6 =	sshll.u32 s26, $0x1;
	_ =	strace $0x80000049;
	[dreg:$0x1] =	wrdreg $0xFFFFFFFF  }
0xad: {  	s28 =	simm.s32 $_size_execute0_lowered;
	s4 =	sadd.s32 s4, s6;
	[dreg:$0x0] =	wrdreg $0x0  }
0xae: {  	s6 =	sshll.u32 s28, $0x1;
	[dreg:$0x2] =	wrdreg s4  }
0xaf: {  	[dreg:$0x3] =	wrdreg s6  }
0xb0: {  	[dreg:$0x4] =	wrdreg $0xC0  }
0xb1: {  	_ =	task [dreg:s8], $0x5FFFF  }
0xb2: {  	[dreg:$0x1] =	wrdreg $0xFFFFFFFF  }
0xb3: {  	[dreg:$0x0] =	wrdreg $0x60  }
0xb4: {  	[dreg:$0x2] =	wrdreg s24  }
0xb5: {  	[dreg:$0x3] =	wrdreg s16  }
0xb6: {  	[dreg:$0x4] =	wrdreg s17  }
0xb7: {  	[dreg:$0x5] =	wrdreg $0xA8000  }
0xb8: {  	[dreg:$0x6] =	wrdreg $0x9  }
0xb9: {  	_ =	task.clear_ibuf [dreg:s8], $0x7FFFF;
	_ =	strace $0x90000049  }
0xba: {  	s29 =	simm.s32 $0x9;
	_ =	strace $0x8000004B  }
0xbb: {  	_ =	swait.ge [sflag:s29], $0x1  }
0xbc: {  	[sflag:s29] =	ssyncadd.s32 $0xFFFFFFFF  }
0xbd: {  	_ =	strace $0x9000004B  }
0xbe: {  	_ =	sfence  }
0xbf: {  	s30 =	sld [smem:$0x0];
	_ =	sdelay $0x2  }
0xc0: {  	s31 =	sshll.u32 s1, $0xD;
	s1 =	sshrl.u32 s1, $0x2  }
0xc1: {  	s3 =	sand.u32 $0x4000, s31;
	s1 =	sadd.s32 s1, s30  }
0xc2: {  	s0 =	sor.u32 s3, s0;
	s1 =	sshll.u32 s1, $0x11  }
0xc3: {  	s0 =	sor.u32 s1, s0  }
0xc4: {  	s0 =	sadd.s32 $0x8F2B, s0  }
0xc5: {  	[sflag:s0] =	ssyncadd.remote.s32 $0x1  }
0xc6: {  	_ =	sfence.sel $0xFFFF  }
0xc7: {  	[dreg:$0x0] =	wrdreg $0xFFFFFFFF;
	(pc) =	sbr.abs _section_cstart, $3  }
0xc8: {  	[dreg:$0x1] =	wrdreg $0xFFFFFFFF  }
0xc9: {  	_ =	task.clear_ibuf [dreg:s8], $0x2FFFF;
	_ =	strace $0x9FFFFFFF  }
0xca: {  	(tm) =	ssettm $0x7FFFFFFF  }
0xcb: {  	_ =	shalt  }
tec
execute0_lowered:
.L_overlay_start_1:
0x0: {  	(tag) =	ssettag $0x1  }
0x1: {  	s0 =	rddreg [dreg:$0x0]  }
0x2: {  	s2 =	rddreg [dreg:$0x1]  }
0x3: {  	s10 =	rddreg [dreg:$0x2]  }
0x4: {  	s1 =	rddreg [dreg:$0x3]  }
0x5: {  	s3 =	simm.s32 $0x0;
	s4 =	srdreg.scid;
	s8 =	stileid.u32  }
0x6: {  	s28 =	simm.s32 $0x3;
	s29 =	simm.s32 $0x4;
	s30 =	simm.s32 $0x2600  }
0x7: {  	s31 =	simm.s32 $0x2680;
	[smem:$0x7FF] =	sst s3;
	s9 =	sand.u32 $0x1, s4  }
0x8: {  	s4 =	sadd.s32 $0x1400, s0;
	s6 =	smul.u32 $0x50000, s8;
	s0 =	sadd.s32 $0x29400, s0  }
0x9: {  	s11 =	smul.u32 $0x14000, s8;
	s16 =	sshll.u32 s8, $0x1;
	_ =	strace $0x8000004A  }
0xa: {  	s5 =	ssub.s32 $0x2, s9;
	s8 =	sor.u32 s9, s16;
	s19 =	smul.u32 $0x140000, s9  }
0xb: {  	s7 =	sshrl.u32 s5, $0x1;
	s6 =	sshrl.u32 s6, $0x2;
	s13 =	sadd.s32 $0x4000, s11  }
0xc: {  	s14 =	sadd.s32 $0x8000, s11;
	s15 =	smul.u32 $0x500, s8;
	s16 =	sadd.s32 $0xC000, s11  }
0xd: {  	s17 =	smul.u32 $0x2800, s8;
	s18 =	sadd.s32 $0x10000, s11;
	s12 =	ssub.s32 s5, s7  }
0xe: {  	s5 =	sadd.s32 s6, s1;
	s6 =	sadd.s32 s13, s1;
	s7 =	sadd.s32 s14, s1  }
0xf: {  	s8 =	sadd.s32 s16, s1;
	s9 =	sadd.s32 s18, s1;
	s11 =	sadd.s32 s11, s19  }
0x10: {  	s21 =	sadd.s32 s19, s13;
	s23 =	sadd.s32 s19, s14;
	s24 =	sadd.s32 s19, s16  }
0x11: {  	s25 =	sadd.s32 s19, s18;
	s20 =	sadd.s32 s2, s15;
	s17 =	sshrl.u32 s17, $0x3  }
0x12: {  	s15 =	sadd.s32 s10, s15;
	s22 =	sshrl.u32 s21, $0x3;
	s26 =	sshrl.u32 s25, $0x3  }
0x13: {  	s19 =	smax.u32 s12, $0x1;
	s21 =	simm.s32 $0x5;
	s25 =	simm.s32 $0x1  }
0x14: {  	s12 =	simm.s32 $0x0;
	[dreg:$0x5] =	wrdreg s20;
	s17 =	sadd.s32 $0x280, s17  }
0x15: {  	[dreg:$0x6] =	wrdreg s15;
	s20 =	sshrl.u32 s11, $0x3;
	s2 =	sadd.s32 s2, s17  }
0x16: {  	s18 =	sadd.s32 s0, s26;
	s10 =	sadd.s32 s10, s17;
	[dreg:$0x7] =	wrdreg s2  }
0x17: {  	s26 =	simm.s32 $0x2;
	s11 =	simm.s32 $0x2780;
	[dreg:$0x8] =	wrdreg s10  }
0x18: {  	s2 =	sadd.s32 s0, s20;
	s10 =	sshrl.u32 s24, $0x3;
	s20 =	simm.s32 $0x2800  }
0x19: {  	s24 =	simm.s32 $0x6800;
	[dreg:$0x9] =	wrdreg s2;
	s2 =	sadd.s32 s0, s22  }
0x1a: {  	s17 =	sadd.s32 s0, s10;
	s22 =	simm.s32 $0x1400;
	s10 =	simm.s32 $0x2700  }
0x1b: {  	[dreg:$0xa] =	wrdreg s2;
	s2 =	sshrl.u32 s23, $0x3;
	s23 =	simm.s32 $0x80  }
0x1c: {  	v0 =	vimm.f32 $0.0e+00;
	s16 =	sadd.s32 s0, s2;
	s0 =	simm.s32 $0x1300;
	s2 =	simm.s32 $0x1380  }
.LBB2_1:
0x1d: {  	s13 =	simm.s32 $0x0;
	s14 =	simm.s32 $0x200  }
.LBB2_2:
0x1e: {  	p0 =	sne.s32 s14, $0xFE00;
	[tilespmem:s13+$0x2870] =	vst v0  }
0x1f: {  	[tilespmem:s13+$0x2800] =	vst v0  }
0x20: {  	[tilespmem:s13+$0x2810] =	vst v0  }
.Ltmp0:
0x21: {  	[tilespmem:s13+$0x2820] =	vst v0;
	(pc) =	sbr.rel @p0 .LBB2_2-.Ltmp0, $4  }
0x22: {  	[tilespmem:s13+$0x2830] =	vst v0  }
0x23: {  	[tilespmem:s13+$0x2840] =	vst v0  }
0x24: {  	[tilespmem:s13+$0x2850] =	vst v0  }
0x25: {  	[tilespmem:s13+$0x2860] =	vst v0;
	s13 =	sshra.s32 s14, $0x2;
	s14 =	sadd.s32 $0x200, s14  }
0x26: {  	[tilespmem:s13+$0x2870] =	vst v0  }
0x27: {  	[tilespmem:s13+$0x2800] =	vst v0  }
0x28: {  	[tilespmem:s13+$0x2810] =	vst v0  }
0x29: {  	[tilespmem:s13+$0x2820] =	vst v0  }
0x2a: {  	[tilespmem:s13+$0x2830] =	vst v0  }
0x2b: {  	[tilespmem:s13+$0x2840] =	vst v0  }
0x2c: {  	[tilespmem:s13+$0x2850] =	vst v0  }
0x2d: {  	[tilespmem:s13+$0x2860] =	vst v0  }
0x2e: {  	[spmem:s5] =	stream.linear.scatter [tilespmem:s20], [sflag:$0x5], $0x4000, $0x38;
	[tilespmem:$0x1E800] =	vst v63  }
0x2f: {  	_ =	swait.ge [sflag:s21], $0x4000  }
0x30: {  	[sflag:s21] =	ssyncset.done $0x0  }
0x31: {  	[sflag:s21] =	ssyncadd.s32 $0xFFFFC000  }
0x32: {  	[spmem:s6] =	stream.linear.scatter [tilespmem:s20], [sflag:$0x5], $0x4000, $0x38;
	[tilespmem:$0x1E800] =	vst v63  }
0x33: {  	_ =	swait.ge [sflag:s21], $0x4000  }
0x34: {  	[sflag:s21] =	ssyncset.done $0x0  }
0x35: {  	[sflag:s21] =	ssyncadd.s32 $0xFFFFC000  }
0x36: {  	[spmem:s7] =	stream.linear.scatter [tilespmem:s20], [sflag:$0x5], $0x4000, $0x38;
	[tilespmem:$0x1E800] =	vst v63  }
0x37: {  	_ =	swait.ge [sflag:s21], $0x4000  }
0x38: {  	[sflag:s21] =	ssyncset.done $0x0  }
0x39: {  	[sflag:s21] =	ssyncadd.s32 $0xFFFFC000  }
0x3a: {  	[spmem:s8] =	stream.linear.scatter [tilespmem:s20], [sflag:$0x5], $0x4000, $0x38;
	[tilespmem:$0x1E800] =	vst v63  }
0x3b: {  	_ =	swait.ge [sflag:s21], $0x4000  }
0x3c: {  	[sflag:s21] =	ssyncset.done $0x0  }
0x3d: {  	[sflag:s21] =	ssyncadd.s32 $0xFFFFC000  }
0x3e: {  	[spmem:s9] =	stream.linear.scatter [tilespmem:s20], [sflag:$0x5], $0x4000, $0x38;
	[tilespmem:$0x1E800] =	vst v63  }
0x3f: {  	_ =	swait.ge [sflag:s21], $0x4000  }
0x40: {  	[sflag:s21] =	ssyncset.done $0x0  }
0x41: {  	[sflag:s21] =	ssyncadd.s32 $0xFFFFC000  }
0x42: {  	[bflag:$0x0] =	sbarrier.arrive $0xFFFF  }
0x43: {  	s13 =	simm.s32 $0x0;
	s14 =	rddreg [dreg:$0x5]  }
0x44: {  	[tilespmem:s13], [sflag:$0x5] =	stream.linear.gather [hbm4b:s14+s13], $0x1400, $0x38;
	[tilespmem:$0x1E800] =	vst v63  }
0x45: {  	_ =	swait.ge [sflag:s21], $0x1400  }
0x46: {  	[sflag:s21] =	ssyncset.done $0x0  }
0x47: {  	s15 =	rddreg [dreg:$0x6];
	[sflag:s21] =	ssyncadd.s32 $0xFFFFEC00  }
0x48: {  	[tilespmem:s22], [sflag:$0x5] =	stream.linear.gather [hbm4b:s15+s13], $0x1400, $0x38;
	[tilespmem:$0x1E800] =	vst v63  }
0x49: {  	_ =	swait.ge [sflag:s21], $0x1400  }
0x4a: {  	[sflag:s21] =	ssyncset.done $0x0  }
0x4b: {  	[sflag:s21] =	ssyncadd.s32 $0xFFFFEC00  }
0x4c: {  	[tilespmem:s20], [sflag:$0x1] =	stream.indirect.gather [hbm4b:s4+s23], $0x80, s13, s23, $0xb8;
	[tilespmem:$0x1E800] =	vst v63  }
0x4d: {  	_ = 	snop  }
0x4e: {  	[tilespmem:s24], [sflag:$0x2] =	stream.indirect.gather [hbm4b:s4+s23], $0x80, s23, s23, $0xb8;
	[tilespmem:$0x1E800] =	vst v63  }
0x4f: {  	_ =	swait.ge [sflag:s25], $0x4000  }
0x50: {  	[sflag:s25] =	ssyncset.done $0x0  }
0x51: {  	s15 =	simm.s32 $0x1400;
	[sflag:s25] =	ssyncadd.s32 $0xFFFFC000  }
0x52: {  	[spmem:s1] =	stream.indirect.scatter.add.f32 [tilespmem:s20], [sflag:$0x3], $0x80, s15, s23, $0xb8;
	[tilespmem:$0x1E800] =	vst v63  }
0x53: {  	_ =	swait.ge [sflag:s26], $0x4000  }
0x54: {  	[sflag:s26] =	ssyncset.done $0x0  }
0x55: {  	s14 =	simm.s32 $0x1480;
	[sflag:s26] =	ssyncadd.s32 $0xFFFFC000  }
0x56: {  	[spmem:s1] =	stream.indirect.scatter.add.f32 [tilespmem:s24], [sflag:$0x4], $0x80, s14, s23, $0xb8;
	[tilespmem:$0x1E800] =	vst v63  }
0x57: {  	_ =	swait.ge [sflag:s28], $0x4000  }
0x58: {  	[sflag:s28] =	ssyncset.done $0x0  }
0x59: {  	s15 =	simm.s32 $0x100;
	[sflag:s28] =	ssyncadd.s32 $0xFFFFC000  }
0x5a: {  	[tilespmem:s20], [sflag:$0x1] =	stream.indirect.gather [hbm4b:s4+s23], $0x80, s15, s23, $0xb8;
	[tilespmem:$0x1E800] =	vst v63  }
0x5b: {  	_ =	swait.ge [sflag:s29], $0x4000  }
0x5c: {  	[sflag:s29] =	ssyncset.done $0x0  }
0x5d: {  	s13 =	simm.s32 $0x400;
	s14 =	simm.s32 $0x180;
	[sflag:s29] =	ssyncadd.s32 $0xFFFFC000  }
.LBB2_4:
0x5e: {  	[tilespmem:s24], [sflag:$0x2] =	stream.indirect.gather [hbm4b:s4+s23], $0x80, s14, s23, $0xb8;
	[tilespmem:$0x1E800] =	vst v63  }
0x5f: {  	s14 =	smov.u32 s13  }
0x60: {  	p0 =	sne.s32 s13, $0x4400;
	s13 =	sadd.s32 $0x400, s13;
	_ =	swait.ge [sflag:s25], $0x4000  }
0x61: {  	s14 =	sshra.s32 s14, $0x2;
	[sflag:s25] =	ssyncset.done $0x0  }
0x62: {  	s15 =	sadd.s32 $0x1400, s14;
	[sflag:s25] =	ssyncadd.s32 $0xFFFFC000  }
0x63: {  	[spmem:s1] =	stream.indirect.scatter.add.f32 [tilespmem:s20], [sflag:$0x3], $0x80, s15, s23, $0xb8;
	[tilespmem:$0x1E800] =	vst v63  }
0x64: {  	_ =	swait.ge [sflag:s26], $0x4000  }
0x65: {  	[sflag:s26] =	ssyncset.done $0x0  }
0x66: {  	s15 =	sadd.s32 $0x1480, s14;
	[sflag:s26] =	ssyncadd.s32 $0xFFFFC000  }
0x67: {  	[spmem:s1] =	stream.indirect.scatter.add.f32 [tilespmem:s24], [sflag:$0x4], $0x80, s15, s23, $0xb8;
	[tilespmem:$0x1E800] =	vst v63  }
0x68: {  	_ =	swait.ge [sflag:s28], $0x4000  }
0x69: {  	[sflag:s28] =	ssyncset.done $0x0  }
.Ltmp1:
0x6a: {  	s15 =	sadd.s32 $0x100, s14;
	[sflag:s28] =	ssyncadd.s32 $0xFFFFC000;
	(pc) =	sbr.rel @p0 .LBB2_4-.Ltmp1, $4  }
0x6b: {  	[tilespmem:s20], [sflag:$0x1] =	stream.indirect.gather [hbm4b:s4+s23], $0x80, s15, s23, $0xb8;
	[tilespmem:$0x1E800] =	vst v63  }
0x6c: {  	_ =	swait.ge [sflag:s29], $0x4000  }
0x6d: {  	[sflag:s29] =	ssyncset.done $0x0  }
0x6e: {  	s14 =	sadd.s32 $0x180, s14;
	[sflag:s29] =	ssyncadd.s32 $0xFFFFC000  }
0x6f: {  	[tilespmem:s24], [sflag:$0x2] =	stream.indirect.gather [hbm4b:s4+s23], $0x80, s14, s23, $0xb8;
	[tilespmem:$0x1E800] =	vst v63  }
0x70: {  	_ =	swait.ge [sflag:s25], $0x4000  }
0x71: {  	[sflag:s25] =	ssyncset.done $0x0  }
0x72: {  	[sflag:s25] =	ssyncadd.s32 $0xFFFFC000  }
0x73: {  	[spmem:s1] =	stream.indirect.scatter.add.f32 [tilespmem:s20], [sflag:$0x3], $0x80, s30, s23, $0xb8;
	[tilespmem:$0x1E800] =	vst v63  }
0x74: {  	_ =	swait.ge [sflag:s26], $0x4000  }
0x75: {  	[sflag:s26] =	ssyncset.done $0x0  }
0x76: {  	[sflag:s26] =	ssyncadd.s32 $0xFFFFC000  }
0x77: {  	[spmem:s1] =	stream.indirect.scatter.add.f32 [tilespmem:s24], [sflag:$0x4], $0x80, s31, s23, $0xb8;
	[tilespmem:$0x1E800] =	vst v63  }
0x78: {  	_ =	swait.ge [sflag:s28], $0x4000  }
0x79: {  	[sflag:s28] =	ssyncset.done $0x0  }
0x7a: {  	[sflag:s28] =	ssyncadd.s32 $0xFFFFC000  }
0x7b: {  	[tilespmem:s20], [sflag:$0x1] =	stream.indirect.gather [hbm4b:s4+s23], $0x80, s0, s23, $0xb8;
	[tilespmem:$0x1E800] =	vst v63  }
0x7c: {  	_ =	swait.ge [sflag:s29], $0x4000  }
0x7d: {  	[sflag:s29] =	ssyncset.done $0x0  }
0x7e: {  	[sflag:s29] =	ssyncadd.s32 $0xFFFFC000  }
0x7f: {  	[tilespmem:s24], [sflag:$0x2] =	stream.indirect.gather [hbm4b:s4+s23], $0x80, s2, s23, $0xb8;
	[tilespmem:$0x1E800] =	vst v63  }
0x80: {  	_ =	swait.ge [sflag:s25], $0x4000  }
0x81: {  	[sflag:s25] =	ssyncset.done $0x0  }
0x82: {  	[sflag:s25] =	ssyncadd.s32 $0xFFFFC000  }
0x83: {  	[spmem:s1] =	stream.indirect.scatter.add.f32 [tilespmem:s20], [sflag:$0x3], $0x80, s10, s23, $0xb8;
	[tilespmem:$0x1E800] =	vst v63  }
0x84: {  	_ =	swait.ge [sflag:s26], $0x4000  }
0x85: {  	[sflag:s26] =	ssyncset.done $0x0  }
0x86: {  	[sflag:s26] =	ssyncadd.s32 $0xFFFFC000  }
0x87: {  	[spmem:s1] =	stream.indirect.scatter.add.f32 [tilespmem:s24], [sflag:$0x4], $0x80, s11, s23, $0xb8;
	[tilespmem:$0x1E800] =	vst v63  }
0x88: {  	_ =	swait.ge [sflag:s28], $0x4000  }
0x89: {  	[sflag:s28] =	ssyncset.done $0x0  }
0x8a: {  	[sflag:s28] =	ssyncadd.s32 $0xFFFFC000  }
0x8b: {  	[tilespmem:s20], [sflag:$0x1] =	stream.indirect.gather [hbm4b:s4+s23], $0x80, s2, s23, $0xb8;
	[tilespmem:$0x1E800] =	vst v63  }
0x8c: {  	_ =	swait.ge [sflag:s29], $0x4000  }
0x8d: {  	[sflag:s29] =	ssyncset.done $0x0  }
0x8e: {  	[sflag:s29] =	ssyncadd.s32 $0xFFFFC000  }
0x8f: {  	[tilespmem:s24], [sflag:$0x2] =	stream.indirect.gather [hbm4b:s4+s23], $0x80, s2, s23, $0xb8;
	[tilespmem:$0x1E800] =	vst v63  }
0x90: {  	_ =	swait.ge [sflag:s25], $0x4000  }
0x91: {  	[sflag:s25] =	ssyncset.done $0x0  }
0x92: {  	[sflag:s25] =	ssyncadd.s32 $0xFFFFC000  }
0x93: {  	_ =	swait.ge [sflag:s26], $0x4000  }
0x94: {  	[sflag:s26] =	ssyncset.done $0x0  }
0x95: {  	s13 =	simm.s32 $0x0;
	s15 =	rddreg [dreg:$0x7];
	[sflag:s26] =	ssyncadd.s32 $0xFFFFC000  }
0x96: {  	[tilespmem:s13], [sflag:$0x5] =	stream.linear.gather [hbm4b:s15+s13], $0x1400, $0x38;
	[tilespmem:$0x1E800] =	vst v63  }
0x97: {  	_ =	swait.ge [sflag:s21], $0x1400  }
0x98: {  	[sflag:s21] =	ssyncset.done $0x0  }
0x99: {  	s15 =	rddreg [dreg:$0x8];
	[sflag:s21] =	ssyncadd.s32 $0xFFFFEC00  }
0x9a: {  	[tilespmem:s22], [sflag:$0x5] =	stream.linear.gather [hbm4b:s15+s13], $0x1400, $0x38;
	[tilespmem:$0x1E800] =	vst v63  }
0x9b: {  	_ =	swait.ge [sflag:s21], $0x1400  }
0x9c: {  	[sflag:s21] =	ssyncset.done $0x0  }
0x9d: {  	[sflag:s21] =	ssyncadd.s32 $0xFFFFEC00  }
0x9e: {  	[tilespmem:s20], [sflag:$0x1] =	stream.indirect.gather [hbm4b:s4+s23], $0x80, s13, s23, $0xb8;
	[tilespmem:$0x1E800] =	vst v63  }
0x9f: {  	_ = 	snop  }
0xa0: {  	[tilespmem:s24], [sflag:$0x2] =	stream.indirect.gather [hbm4b:s4+s23], $0x80, s23, s23, $0xb8;
	[tilespmem:$0x1E800] =	vst v63  }
0xa1: {  	_ =	swait.ge [sflag:s25], $0x4000  }
0xa2: {  	[sflag:s25] =	ssyncset.done $0x0  }
0xa3: {  	s15 =	simm.s32 $0x1400;
	[sflag:s25] =	ssyncadd.s32 $0xFFFFC000  }
0xa4: {  	[spmem:s1] =	stream.indirect.scatter.add.f32 [tilespmem:s20], [sflag:$0x3], $0x80, s15, s23, $0xb8;
	[tilespmem:$0x1E800] =	vst v63  }
0xa5: {  	_ =	swait.ge [sflag:s26], $0x4000  }
0xa6: {  	[sflag:s26] =	ssyncset.done $0x0  }
0xa7: {  	s14 =	simm.s32 $0x1480;
	[sflag:s26] =	ssyncadd.s32 $0xFFFFC000  }
0xa8: {  	[spmem:s1] =	stream.indirect.scatter.add.f32 [tilespmem:s24], [sflag:$0x4], $0x80, s14, s23, $0xb8;
	[tilespmem:$0x1E800] =	vst v63  }
0xa9: {  	_ =	swait.ge [sflag:s28], $0x4000  }
0xaa: {  	[sflag:s28] =	ssyncset.done $0x0  }
0xab: {  	s15 =	simm.s32 $0x100;
	[sflag:s28] =	ssyncadd.s32 $0xFFFFC000  }
0xac: {  	[tilespmem:s20], [sflag:$0x1] =	stream.indirect.gather [hbm4b:s4+s23], $0x80, s15, s23, $0xb8;
	[tilespmem:$0x1E800] =	vst v63  }
0xad: {  	_ =	swait.ge [sflag:s29], $0x4000  }
0xae: {  	[sflag:s29] =	ssyncset.done $0x0  }
0xaf: {  	s13 =	simm.s32 $0x400;
	s14 =	simm.s32 $0x180;
	[sflag:s29] =	ssyncadd.s32 $0xFFFFC000  }
.LBB2_6:
0xb0: {  	[tilespmem:s24], [sflag:$0x2] =	stream.indirect.gather [hbm4b:s4+s23], $0x80, s14, s23, $0xb8;
	[tilespmem:$0x1E800] =	vst v63  }
0xb1: {  	s14 =	smov.u32 s13  }
0xb2: {  	p0 =	sne.s32 s13, $0x4400;
	s13 =	sadd.s32 $0x400, s13;
	_ =	swait.ge [sflag:s25], $0x4000  }
0xb3: {  	s14 =	sshra.s32 s14, $0x2;
	[sflag:s25] =	ssyncset.done $0x0  }
0xb4: {  	s15 =	sadd.s32 $0x1400, s14;
	[sflag:s25] =	ssyncadd.s32 $0xFFFFC000  }
0xb5: {  	[spmem:s1] =	stream.indirect.scatter.add.f32 [tilespmem:s20], [sflag:$0x3], $0x80, s15, s23, $0xb8;
	[tilespmem:$0x1E800] =	vst v63  }
0xb6: {  	_ =	swait.ge [sflag:s26], $0x4000  }
0xb7: {  	[sflag:s26] =	ssyncset.done $0x0  }
0xb8: {  	s15 =	sadd.s32 $0x1480, s14;
	[sflag:s26] =	ssyncadd.s32 $0xFFFFC000  }
0xb9: {  	[spmem:s1] =	stream.indirect.scatter.add.f32 [tilespmem:s24], [sflag:$0x4], $0x80, s15, s23, $0xb8;
	[tilespmem:$0x1E800] =	vst v63  }
0xba: {  	_ =	swait.ge [sflag:s28], $0x4000  }
0xbb: {  	[sflag:s28] =	ssyncset.done $0x0  }
.Ltmp2:
0xbc: {  	s15 =	sadd.s32 $0x100, s14;
	[sflag:s28] =	ssyncadd.s32 $0xFFFFC000;
	(pc) =	sbr.rel @p0 .LBB2_6-.Ltmp2, $4  }
0xbd: {  	[tilespmem:s20], [sflag:$0x1] =	stream.indirect.gather [hbm4b:s4+s23], $0x80, s15, s23, $0xb8;
	[tilespmem:$0x1E800] =	vst v63  }
0xbe: {  	_ =	swait.ge [sflag:s29], $0x4000  }
0xbf: {  	[sflag:s29] =	ssyncset.done $0x0  }
0xc0: {  	s14 =	sadd.s32 $0x180, s14;
	[sflag:s29] =	ssyncadd.s32 $0xFFFFC000  }
0xc1: {  	[tilespmem:s24], [sflag:$0x2] =	stream.indirect.gather [hbm4b:s4+s23], $0x80, s14, s23, $0xb8;
	[tilespmem:$0x1E800] =	vst v63  }
0xc2: {  	_ =	swait.ge [sflag:s25], $0x4000  }
0xc3: {  	[sflag:s25] =	ssyncset.done $0x0  }
0xc4: {  	[sflag:s25] =	ssyncadd.s32 $0xFFFFC000  }
0xc5: {  	[spmem:s1] =	stream.indirect.scatter.add.f32 [tilespmem:s20], [sflag:$0x3], $0x80, s30, s23, $0xb8;
	[tilespmem:$0x1E800] =	vst v63  }
0xc6: {  	_ =	swait.ge [sflag:s26], $0x4000  }
0xc7: {  	[sflag:s26] =	ssyncset.done $0x0  }
0xc8: {  	[sflag:s26] =	ssyncadd.s32 $0xFFFFC000  }
0xc9: {  	[spmem:s1] =	stream.indirect.scatter.add.f32 [tilespmem:s24], [sflag:$0x4], $0x80, s31, s23, $0xb8;
	[tilespmem:$0x1E800] =	vst v63  }
0xca: {  	_ =	swait.ge [sflag:s28], $0x4000  }
0xcb: {  	[sflag:s28] =	ssyncset.done $0x0  }
0xcc: {  	[sflag:s28] =	ssyncadd.s32 $0xFFFFC000  }
0xcd: {  	[tilespmem:s20], [sflag:$0x1] =	stream.indirect.gather [hbm4b:s4+s23], $0x80, s0, s23, $0xb8;
	[tilespmem:$0x1E800] =	vst v63  }
0xce: {  	_ =	swait.ge [sflag:s29], $0x4000  }
0xcf: {  	[sflag:s29] =	ssyncset.done $0x0  }
0xd0: {  	[sflag:s29] =	ssyncadd.s32 $0xFFFFC000  }
0xd1: {  	[tilespmem:s24], [sflag:$0x2] =	stream.indirect.gather [hbm4b:s4+s23], $0x80, s2, s23, $0xb8;
	[tilespmem:$0x1E800] =	vst v63  }
0xd2: {  	_ =	swait.ge [sflag:s25], $0x4000  }
0xd3: {  	[sflag:s25] =	ssyncset.done $0x0  }
0xd4: {  	[sflag:s25] =	ssyncadd.s32 $0xFFFFC000  }
0xd5: {  	[spmem:s1] =	stream.indirect.scatter.add.f32 [tilespmem:s20], [sflag:$0x3], $0x80, s10, s23, $0xb8;
	[tilespmem:$0x1E800] =	vst v63  }
0xd6: {  	_ =	swait.ge [sflag:s26], $0x4000  }
0xd7: {  	[sflag:s26] =	ssyncset.done $0x0  }
0xd8: {  	[sflag:s26] =	ssyncadd.s32 $0xFFFFC000  }
0xd9: {  	[spmem:s1] =	stream.indirect.scatter.add.f32 [tilespmem:s24], [sflag:$0x4], $0x80, s11, s23, $0xb8;
	[tilespmem:$0x1E800] =	vst v63  }
0xda: {  	_ =	swait.ge [sflag:s28], $0x4000  }
0xdb: {  	[sflag:s28] =	ssyncset.done $0x0  }
0xdc: {  	[sflag:s28] =	ssyncadd.s32 $0xFFFFC000  }
0xdd: {  	[tilespmem:s20], [sflag:$0x1] =	stream.indirect.gather [hbm4b:s4+s23], $0x80, s2, s23, $0xb8;
	[tilespmem:$0x1E800] =	vst v63  }
0xde: {  	_ =	swait.ge [sflag:s29], $0x4000  }
0xdf: {  	[sflag:s29] =	ssyncset.done $0x0  }
0xe0: {  	[sflag:s29] =	ssyncadd.s32 $0xFFFFC000  }
0xe1: {  	[tilespmem:s24], [sflag:$0x2] =	stream.indirect.gather [hbm4b:s4+s23], $0x80, s2, s23, $0xb8;
	[tilespmem:$0x1E800] =	vst v63  }
0xe2: {  	_ =	swait.ge [sflag:s25], $0x4000  }
0xe3: {  	[sflag:s25] =	ssyncset.done $0x0  }
0xe4: {  	[sflag:s25] =	ssyncadd.s32 $0xFFFFC000  }
0xe5: {  	_ =	swait.ge [sflag:s26], $0x4000  }
0xe6: {  	[sflag:s26] =	ssyncset.done $0x0  }
0xe7: {  	[sflag:s26] =	ssyncadd.s32 $0xFFFFC000  }
0xe8: {  	[bflag:$0x0] =	sbarrier.arrive $0xFFFF  }
0xe9: {  	[tilespmem:s20], [sflag:$0x5] =	stream.linear.gather [spmem:s5], $0x4000, $0x38;
	[tilespmem:$0x1E800] =	vst v63  }
0xea: {  	_ =	swait.ge [sflag:s21], $0x4000  }
0xeb: {  	[sflag:s21] =	ssyncset.done $0x0  }
0xec: {  	s13 =	rddreg [dreg:$0x9];
	[sflag:s21] =	ssyncadd.s32 $0xFFFFC000  }
0xed: {  	[hbm4b:s13+s3] =	stream.linear.scatter [tilespmem:s20], [sflag:$0x5], $0x4000, $0x38;
	[tilespmem:$0x1E800] =	vst v63  }
0xee: {  	_ =	swait.ge [sflag:s21], $0x4000  }
0xef: {  	[sflag:s21] =	ssyncset.done $0x0  }
0xf0: {  	[sflag:s21] =	ssyncadd.s32 $0xFFFFC000  }
0xf1: {  	[tilespmem:s20], [sflag:$0x5] =	stream.linear.gather [spmem:s6], $0x4000, $0x38;
	[tilespmem:$0x1E800] =	vst v63  }
0xf2: {  	_ =	swait.ge [sflag:s21], $0x4000  }
0xf3: {  	[sflag:s21] =	ssyncset.done $0x0  }
0xf4: {  	s15 =	rddreg [dreg:$0xa];
	[sflag:s21] =	ssyncadd.s32 $0xFFFFC000  }
0xf5: {  	[hbm4b:s15+s3] =	stream.linear.scatter [tilespmem:s20], [sflag:$0x5], $0x4000, $0x38;
	[tilespmem:$0x1E800] =	vst v63  }
0xf6: {  	_ =	swait.ge [sflag:s21], $0x4000  }
0xf7: {  	[sflag:s21] =	ssyncset.done $0x0  }
0xf8: {  	[sflag:s21] =	ssyncadd.s32 $0xFFFFC000  }
0xf9: {  	[tilespmem:s20], [sflag:$0x5] =	stream.linear.gather [spmem:s7], $0x4000, $0x38;
	[tilespmem:$0x1E800] =	vst v63  }
0xfa: {  	_ =	swait.ge [sflag:s21], $0x4000  }
0xfb: {  	[sflag:s21] =	ssyncset.done $0x0  }
0xfc: {  	[sflag:s21] =	ssyncadd.s32 $0xFFFFC000  }
0xfd: {  	[hbm4b:s16+s3] =	stream.linear.scatter [tilespmem:s20], [sflag:$0x5], $0x4000, $0x38;
	[tilespmem:$0x1E800] =	vst v63  }
0xfe: {  	_ =	swait.ge [sflag:s21], $0x4000  }
0xff: {  	[sflag:s21] =	ssyncset.done $0x0  }
0x100: {  	[sflag:s21] =	ssyncadd.s32 $0xFFFFC000  }
0x101: {  	[tilespmem:s20], [sflag:$0x5] =	stream.linear.gather [spmem:s8], $0x4000, $0x38;
	[tilespmem:$0x1E800] =	vst v63  }
0x102: {  	_ =	swait.ge [sflag:s21], $0x4000  }
0x103: {  	[sflag:s21] =	ssyncset.done $0x0  }
0x104: {  	[sflag:s21] =	ssyncadd.s32 $0xFFFFC000  }
0x105: {  	[hbm4b:s17+s3] =	stream.linear.scatter [tilespmem:s20], [sflag:$0x5], $0x4000, $0x38;
	[tilespmem:$0x1E800] =	vst v63  }
0x106: {  	_ =	swait.ge [sflag:s21], $0x4000  }
0x107: {  	[sflag:s21] =	ssyncset.done $0x0  }
0x108: {  	[sflag:s21] =	ssyncadd.s32 $0xFFFFC000  }
0x109: {  	[tilespmem:s20], [sflag:$0x5] =	stream.linear.gather [spmem:s9], $0x4000, $0x38;
	[tilespmem:$0x1E800] =	vst v63  }
0x10a: {  	s12 =	sadd.s32 $0x1, s12;
	_ =	swait.ge [sflag:s21], $0x4000  }
0x10b: {  	p0 =	sne.s32 s12, s19;
	[sflag:s21] =	ssyncset.done $0x0  }
.Ltmp3:
0x10c: {  	[sflag:s21] =	ssyncadd.s32 $0xFFFFC000;
	(pc) =	sbr.rel @p0 .LBB2_1-.Ltmp3, $4  }
0x10d: {  	[hbm4b:s18+s3] =	stream.linear.scatter [tilespmem:s20], [sflag:$0x5], $0x4000, $0x38;
	[tilespmem:$0x1E800] =	vst v63  }
0x10e: {  	_ =	swait.ge [sflag:s21], $0x4000  }
0x10f: {  	[sflag:s21] =	ssyncset.done $0x0  }
0x110: {  	[sflag:s21] =	ssyncadd.s32 $0xFFFFC000  }
0x111: {  	_ =	sfence.sel $0x180000  }
0x112: {  	[bflag:$0x0] =	sbarrier.arrive $0xFFFF  }
0x113: {  	_ =	strace $0x9000004A  }
0x114: {  	s0 =	stileid.u32;
	[bflag:$0x2] =	sbarrier.arrive $0xFFFF  }
0x115: {  	p0 =	sne.s32 s0, $0x0;
	s0 =	rddreg [dreg:$0x4]  }
0x116: {  	s0 =	sadd.s32 @!p0 $0x100000, s0  }
0x117: {  	[sflag:s0] =	ssyncadd.tile.s32 @!p0 $0x1;
	_ =	shalt  }
.Lfunc_end2:
_tile_overlayer_lowered:
.L_overlay_start_2:
0x118: {  	(tag) =	ssettag $0x2  }
0x119: {  	s0 =	rddreg [dreg:$0x0];
	s2 =	stileid.u32  }
0x11a: {  	s1 =	rddreg [dreg:$0x1];
	p0 =	sne.s32 s2, $0x0  }
0x11b: {  	s3 =	rddreg [dreg:$0x2];
	[bflag:$0x3] =	sbarrier.arrive $0xFFFF;
	s2 =	simm.s32 @!p0 $0x1C05  }
0x11c: {  	[timem:s3], [sflag:s2] =	dma.local @!p0 [hbm:s0], s1  }
0x11d: {  	s0 =	simm.s32 @!p0 $0x5  }
0x11e: {  	_ =	swait.ge @!p0 [sflag:s0], s1  }
0x11f: {  	s1 =	ssub.s32 @!p0 $0x0, s1;
	[sflag:s0] =	ssyncset.done @!p0 $0x0  }
0x120: {  	[sflag:s0] =	ssyncadd.s32 @!p0 s1  }
0x121: {  	[bflag:$0x3] =	sbarrier.arrive $0xFFFF  }
0x122: {  	_ =	shalt  }

</sc_bundles>
